<compile_context>
chip_gen: v7x
topology: tpu7x:2x2x1
jax: 0.10.2.dev20260603
libtpu: 0.0.44.dev20260713+nightly
codegen_flags: <defaults>
</compile_context>

<pallas_src>
import functools

import jax
import jax.numpy as jnp
from jax import lax
from jax.experimental import pallas as pl
from jax.experimental.pallas import tpu as pltpu
from jax.experimental.pallas import tpu_sc as plsc

B = 16384
F = 26
VOCAB = 1000000

NC = 2
NS = 16
NW = NC * NS
CHUNK = B // NW
NIDX = CHUNK * F
L = 16


def _body(tf_hbm, xt_hbm, out_hbm, idx_v, vals_v, out_v, sem):
    wid = lax.axis_index("s") * NC + lax.axis_index("c")

    stage = [
        pltpu.async_copy(
            xt_hbm.at[f, pl.ds(wid * CHUNK, CHUNK)],
            idx_v.at[pl.ds(f * CHUNK, CHUNK)],
            sem,
        )
        for f in range(F)
    ]
    for c in stage:
        c.wait()

    pltpu.sync_copy(tf_hbm.at[idx_v], vals_v)

    def g_body(g, _):
        acc = jnp.zeros((L,), jnp.float32)
        for f in range(F):
            acc = acc + vals_v[pl.ds(f * CHUNK + g * L, L)]
        out_v[pl.ds(g * L, L)] = 1.0 / (1.0 + jnp.exp(-acc))
        return _

    lax.fori_loop(0, CHUNK // L, g_body, None)

    pltpu.sync_copy(out_v, out_hbm.at[pl.ds(wid * CHUNK, CHUNK)])


_sc_call = functools.partial(
    pl.kernel,
    out_type=jax.ShapeDtypeStruct((B,), jnp.float32),
    mesh=plsc.VectorSubcoreMesh(
        core_axis_name="c", subcore_axis_name="s",
        num_cores=NC, num_subcores=NS,
    ),
    compiler_params=pltpu.CompilerParams(needs_layout_passes=False),
    scratch_types=[
        pltpu.VMEM((NIDX,), jnp.int32),
        pltpu.VMEM((NIDX,), jnp.float32),
        pltpu.VMEM((CHUNK,), jnp.float32),
        pltpu.SemaphoreType.DMA,
    ],
)(_body)


@jax.jit
def kernel(x, table):
    return _sc_call(table.reshape(VOCAB), x.T)

# --- scband reference (transcript-rebuilt; emitter-appended) ---
"""Pipeline reference for scband-dnn-rec-78125455114848 (READ-ONLY COPY).

The authoritative reference and input builder live on the scoring server;
editing this copy changes nothing except your own understanding.
"""

import jax, jax.numpy as jnp
import numpy as np

VOCAB = 1000000
B = 16384
F = 26

def setup_inputs(seed: int = 0) -> dict:
    key = jax.random.key(seed)
    k1, k2 = jax.random.split(key)
    x = jax.random.randint(k1, (B, F), 0, VOCAB, dtype=jnp.int32)
    table = jax.random.normal(k2, (VOCAB, 1), dtype=jnp.float32) * 0.01
    return {"x": x, "table": table}

def reference(x, table):
    # nn.Embedding lookup: [B, F] -> [B, F, 1]
    emb = jnp.take(table, x, axis=0)
    # sum over fields: [B, 1]
    s = jnp.sum(emb, axis=1)
    # squeeze embedding dim: [B]
    s = jnp.squeeze(s, axis=1)
    return jax.nn.sigmoid(s)

if __name__ == "__main__":
    import jax
    _d = setup_inputs()
    print(jax.jit(kernel)(*tuple(_d.values())))

</pallas_src>

<mosaic_0001>
#map = affine_map<(d0, d1) -> (0)>
#map1 = affine_map<(d0, d1) -> (0, 0)>
module attributes {stable_mosaic.version = 14 : i64} {
  func.func @_body(%arg0: i32, %arg1: i32, %arg2: memref<1000000xf32, #tpu.memory_space<hbm>>, %arg3: memref<26x16384xi32, #tpu.memory_space<hbm>>, %arg4: memref<16384xf32, #tpu.memory_space<hbm>>, %arg5: memref<13312xi32, #tpu.memory_space<vmem>>, %arg6: memref<13312xf32, #tpu.memory_space<vmem>>, %arg7: memref<512xf32, #tpu.memory_space<vmem>>, %arg8: memref<!tpu.dma_semaphore, #tpu.memory_space<semaphore_mem>>) attributes {dimension_semantics = [#tpu.dimension_semantics<core_parallel>, #tpu.dimension_semantics<subcore_parallel>], iteration_bounds = array<i64: 2, 16>, scalar_prefetch = 0 : i64, scratch_operands = 4 : i64, tpu.core_type = #tpu.core_type<sc_vector_subcore>, window_params = [{transform_indices = #map}, {transform_indices = #map1}, {transform_indices = #map}]} {
    %mul3A = arith.constant 2 : i32
    %mul3A_0 = arith.muli %arg1, %mul3A : i32
    %add3A = arith.addi %mul3A_0, %arg0 : i32
    %mul3A_1 = arith.constant 512 : i32
    %mul3A_2 = arith.muli %add3A, %mul3A_1 : i32
    %dma_start3A = arith.constant 0 : i32
    %dma_start3A_3 = arith.constant 0 : i32
    %dma_start3A_4 = tpu.memref_slice %arg5[%dma_start3A_3] : memref<13312xi32, #tpu.memory_space<vmem>> -> memref<512xi32, #tpu.memory_space<vmem>>
    %dma_start3A_5 = tpu.memref_slice %arg3[%dma_start3A, %mul3A_2] : memref<26x16384xi32, #tpu.memory_space<hbm>> -> memref<1x512xi32, #tpu.memory_space<hbm>>
    %dma_start3A_6 = tpu.memref_squeeze %dma_start3A_5 : memref<1x512xi32, #tpu.memory_space<hbm>> -> memref<512xi32, #tpu.memory_space<hbm>>
    %dma_start3A_7 = arith.constant 0 : i32
    %dma_start3A_8 = tpu.memref_slice %arg5[%dma_start3A_7] : memref<13312xi32, #tpu.memory_space<vmem>> -> memref<512xi32, #tpu.memory_space<vmem>>
    %dma_start3A_9 = tpu.memref_slice %arg3[%dma_start3A, %mul3A_2] : memref<26x16384xi32, #tpu.memory_space<hbm>> -> memref<1x512xi32, #tpu.memory_space<hbm>>
    %dma_start3A_10 = tpu.memref_squeeze %dma_start3A_9 : memref<1x512xi32, #tpu.memory_space<hbm>> -> memref<512xi32, #tpu.memory_space<hbm>>
    tpu.enqueue_dma source(%dma_start3A_10 : memref<512xi32, #tpu.memory_space<hbm>>) target(%dma_start3A_8 : memref<512xi32, #tpu.memory_space<vmem>>) target_semaphore(%arg8 : memref<!tpu.dma_semaphore, #tpu.memory_space<semaphore_mem>>)
    %mul3A_11 = arith.constant 512 : i32
    %mul3A_12 = arith.muli %add3A, %mul3A_11 : i32
    %dma_start3A_13 = arith.constant 1 : i32
    %dma_start3A_14 = arith.constant 512 : i32
    %dma_start3A_15 = tpu.memref_slice %arg5[%dma_start3A_14] : memref<13312xi32, #tpu.memory_space<vmem>> -> memref<512xi32, #tpu.memory_space<vmem>>
    %dma_start3A_16 = tpu.memref_slice %arg3[%dma_start3A_13, %mul3A_12] : memref<26x16384xi32, #tpu.memory_space<hbm>> -> memref<1x512xi32, #tpu.memory_space<hbm>>
    %dma_start3A_17 = tpu.memref_squeeze %dma_start3A_16 : memref<1x512xi32, #tpu.memory_space<hbm>> -> memref<512xi32, #tpu.memory_space<hbm>>
    %dma_start3A_18 = arith.constant 512 : i32
    %dma_start3A_19 = tpu.memref_slice %arg5[%dma_start3A_18] : memref<13312xi32, #tpu.memory_space<vmem>> -> memref<512xi32, #tpu.memory_space<vmem>>
    %dma_start3A_20 = tpu.memref_slice %arg3[%dma_start3A_13, %mul3A_12] : memref<26x16384xi32, #tpu.memory_space<hbm>> -> memref<1x512xi32, #tpu.memory_space<hbm>>
    %dma_start3A_21 = tpu.memref_squeeze %dma_start3A_20 : memref<1x512xi32, #tpu.memory_space<hbm>> -> memref<512xi32, #tpu.memory_space<hbm>>
    tpu.enqueue_dma source(%dma_start3A_21 : memref<512xi32, #tpu.memory_space<hbm>>) target(%dma_start3A_19 : memref<512xi32, #tpu.memory_space<vmem>>) target_semaphore(%arg8 : memref<!tpu.dma_semaphore, #tpu.memory_space<semaphore_mem>>)
    %mul3A_22 = arith.constant 512 : i32
    %mul3A_23 = arith.muli %add3A, %mul3A_22 : i32
    %dma_start3A_24 = arith.constant 2 : i32
    %dma_start3A_25 = arith.constant 1024 : i32
    %dma_start3A_26 = tpu.memref_slice %arg5[%dma_start3A_25] : memref<13312xi32, #tpu.memory_space<vmem>> -> memref<512xi32, #tpu.memory_space<vmem>>
    %dma_start3A_27 = tpu.memref_slice %arg3[%dma_start3A_24, %mul3A_23] : memref<26x16384xi32, #tpu.memory_space<hbm>> -> memref<1x512xi32, #tpu.memory_space<hbm>>
    %dma_start3A_28 = tpu.memref_squeeze %dma_start3A_27 : memref<1x512xi32, #tpu.memory_space<hbm>> -> memref<512xi32, #tpu.memory_space<hbm>>
    %dma_start3A_29 = arith.constant 1024 : i32
    %dma_start3A_30 = tpu.memref_slice %arg5[%dma_start3A_29] : memref<13312xi32, #tpu.memory_space<vmem>> -> memref<512xi32, #tpu.memory_space<vmem>>
    %dma_start3A_31 = tpu.memref_slice %arg3[%dma_start3A_24, %mul3A_23] : memref<26x16384xi32, #tpu.memory_space<hbm>> -> memref<1x512xi32, #tpu.memory_space<hbm>>
    %dma_start3A_32 = tpu.memref_squeeze %dma_start3A_31 : memref<1x512xi32, #tpu.memory_space<hbm>> -> memref<512xi32, #tpu.memory_space<hbm>>
    tpu.enqueue_dma source(%dma_start3A_32 : memref<512xi32, #tpu.memory_space<hbm>>) target(%dma_start3A_30 : memref<512xi32, #tpu.memory_space<vmem>>) target_semaphore(%arg8 : memref<!tpu.dma_semaphore, #tpu.memory_space<semaphore_mem>>)
    %mul3A_33 = arith.constant 512 : i32
    %mul3A_34 = arith.muli %add3A, %mul3A_33 : i32
    %dma_start3A_35 = arith.constant 3 : i32
    %dma_start3A_36 = arith.constant 1536 : i32
    %dma_start3A_37 = tpu.memref_slice %arg5[%dma_start3A_36] : memref<13312xi32, #tpu.memory_space<vmem>> -> memref<512xi32, #tpu.memory_space<vmem>>
    %dma_start3A_38 = tpu.memref_slice %arg3[%dma_start3A_35, %mul3A_34] : memref<26x16384xi32, #tpu.memory_space<hbm>> -> memref<1x512xi32, #tpu.memory_space<hbm>>
    %dma_start3A_39 = tpu.memref_squeeze %dma_start3A_38 : memref<1x512xi32, #tpu.memory_space<hbm>> -> memref<512xi32, #tpu.memory_space<hbm>>
    %dma_start3A_40 = arith.constant 1536 : i32
    %dma_start3A_41 = tpu.memref_slice %arg5[%dma_start3A_40] : memref<13312xi32, #tpu.memory_space<vmem>> -> memref<512xi32, #tpu.memory_space<vmem>>
    %dma_start3A_42 = tpu.memref_slice %arg3[%dma_start3A_35, %mul3A_34] : memref<26x16384xi32, #tpu.memory_space<hbm>> -> memref<1x512xi32, #tpu.memory_space<hbm>>
    %dma_start3A_43 = tpu.memref_squeeze %dma_start3A_42 : memref<1x512xi32, #tpu.memory_space<hbm>> -> memref<512xi32, #tpu.memory_space<hbm>>
    tpu.enqueue_dma source(%dma_start3A_43 : memref<512xi32, #tpu.memory_space<hbm>>) target(%dma_start3A_41 : memref<512xi32, #tpu.memory_space<vmem>>) target_semaphore(%arg8 : memref<!tpu.dma_semaphore, #tpu.memory_space<semaphore_mem>>)
    %mul3A_44 = arith.constant 512 : i32
    %mul3A_45 = arith.muli %add3A, %mul3A_44 : i32
    %dma_start3A_46 = arith.constant 4 : i32
    %dma_start3A_47 = arith.constant 2048 : i32
    %dma_start3A_48 = tpu.memref_slice %arg5[%dma_start3A_47] : memref<13312xi32, #tpu.memory_space<vmem>> -> memref<512xi32, #tpu.memory_space<vmem>>
    %dma_start3A_49 = tpu.memref_slice %arg3[%dma_start3A_46, %mul3A_45] : memref<26x16384xi32, #tpu.memory_space<hbm>> -> memref<1x512xi32, #tpu.memory_space<hbm>>
    %dma_start3A_50 = tpu.memref_squeeze %dma_start3A_49 : memref<1x512xi32, #tpu.memory_space<hbm>> -> memref<512xi32, #tpu.memory_space<hbm>>
    %dma_start3A_51 = arith.constant 2048 : i32
    %dma_start3A_52 = tpu.memref_slice %arg5[%dma_start3A_51] : memref<13312xi32, #tpu.memory_space<vmem>> -> memref<512xi32, #tpu.memory_space<vmem>>
    %dma_start3A_53 = tpu.memref_slice %arg3[%dma_start3A_46, %mul3A_45] : memref<26x16384xi32, #tpu.memory_space<hbm>> -> memref<1x512xi32, #tpu.memory_space<hbm>>
    %dma_start3A_54 = tpu.memref_squeeze %dma_start3A_53 : memref<1x512xi32, #tpu.memory_space<hbm>> -> memref<512xi32, #tpu.memory_space<hbm>>
    tpu.enqueue_dma source(%dma_start3A_54 : memref<512xi32, #tpu.memory_space<hbm>>) target(%dma_start3A_52 : memref<512xi32, #tpu.memory_space<vmem>>) target_semaphore(%arg8 : memref<!tpu.dma_semaphore, #tpu.memory_space<semaphore_mem>>)
    %mul3A_55 = arith.constant 512 : i32
    %mul3A_56 = arith.muli %add3A, %mul3A_55 : i32
    %dma_start3A_57 = arith.constant 5 : i32
    %dma_start3A_58 = arith.constant 2560 : i32
    %dma_start3A_59 = tpu.memref_slice %arg5[%dma_start3A_58] : memref<13312xi32, #tpu.memory_space<vmem>> -> memref<512xi32, #tpu.memory_space<vmem>>
    %dma_start3A_60 = tpu.memref_slice %arg3[%dma_start3A_57, %mul3A_56] : memref<26x16384xi32, #tpu.memory_space<hbm>> -> memref<1x512xi32, #tpu.memory_space<hbm>>
    %dma_start3A_61 = tpu.memref_squeeze %dma_start3A_60 : memref<1x512xi32, #tpu.memory_space<hbm>> -> memref<512xi32, #tpu.memory_space<hbm>>
    %dma_start3A_62 = arith.constant 2560 : i32
    %dma_start3A_63 = tpu.memref_slice %arg5[%dma_start3A_62] : memref<13312xi32, #tpu.memory_space<vmem>> -> memref<512xi32, #tpu.memory_space<vmem>>
    %dma_start3A_64 = tpu.memref_slice %arg3[%dma_start3A_57, %mul3A_56] : memref<26x16384xi32, #tpu.memory_space<hbm>> -> memref<1x512xi32, #tpu.memory_space<hbm>>
    %dma_start3A_65 = tpu.memref_squeeze %dma_start3A_64 : memref<1x512xi32, #tpu.memory_space<hbm>> -> memref<512xi32, #tpu.memory_space<hbm>>
    tpu.enqueue_dma source(%dma_start3A_65 : memref<512xi32, #tpu.memory_space<hbm>>) target(%dma_start3A_63 : memref<512xi32, #tpu.memory_space<vmem>>) target_semaphore(%arg8 : memref<!tpu.dma_semaphore, #tpu.memory_space<semaphore_mem>>)
    %mul3A_66 = arith.constant 512 : i32
    %mul3A_67 = arith.muli %add3A, %mul3A_66 : i32
    %dma_start3A_68 = arith.constant 6 : i32
    %dma_start3A_69 = arith.constant 3072 : i32
    %dma_start3A_70 = tpu.memref_slice %arg5[%dma_start3A_69] : memref<13312xi32, #tpu.memory_space<vmem>> -> memref<512xi32, #tpu.memory_space<vmem>>
    %dma_start3A_71 = tpu.memref_slice %arg3[%dma_start3A_68, %mul3A_67] : memref<26x16384xi32, #tpu.memory_space<hbm>> -> memref<1x512xi32, #tpu.memory_space<hbm>>
    %dma_start3A_72 = tpu.memref_squeeze %dma_start3A_71 : memref<1x512xi32, #tpu.memory_space<hbm>> -> memref<512xi32, #tpu.memory_space<hbm>>
    %dma_start3A_73 = arith.constant 3072 : i32
    %dma_start3A_74 = tpu.memref_slice %arg5[%dma_start3A_73] : memref<13312xi32, #tpu.memory_space<vmem>> -> memref<512xi32, #tpu.memory_space<vmem>>
    %dma_start3A_75 = tpu.memref_slice %arg3[%dma_start3A_68, %mul3A_67] : memref<26x16384xi32, #tpu.memory_space<hbm>> -> memref<1x512xi32, #tpu.memory_space<hbm>>
    %dma_start3A_76 = tpu.memref_squeeze %dma_start3A_75 : memref<1x512xi32, #tpu.memory_space<hbm>> -> memref<512xi32, #tpu.memory_space<hbm>>
    tpu.enqueue_dma source(%dma_start3A_76 : memref<512xi32, #tpu.memory_space<hbm>>) target(%dma_start3A_74 : memref<512xi32, #tpu.memory_space<vmem>>) target_semaphore(%arg8 : memref<!tpu.dma_semaphore, #tpu.memory_space<semaphore_mem>>)
    %mul3A_77 = arith.constant 512 : i32
    %mul3A_78 = arith.muli %add3A, %mul3A_77 : i32
    %dma_start3A_79 = arith.constant 7 : i32
    %dma_start3A_80 = arith.constant 3584 : i32
    %dma_start3A_81 = tpu.memref_slice %arg5[%dma_start3A_80] : memref<13312xi32, #tpu.memory_space<vmem>> -> memref<512xi32, #tpu.memory_space<vmem>>
    %dma_start3A_82 = tpu.memref_slice %arg3[%dma_start3A_79, %mul3A_78] : memref<26x16384xi32, #tpu.memory_space<hbm>> -> memref<1x512xi32, #tpu.memory_space<hbm>>
    %dma_start3A_83 = tpu.memref_squeeze %dma_start3A_82 : memref<1x512xi32, #tpu.memory_space<hbm>> -> memref<512xi32, #tpu.memory_space<hbm>>
    %dma_start3A_84 = arith.constant 3584 : i32
    %dma_start3A_85 = tpu.memref_slice %arg5[%dma_start3A_84] : memref<13312xi32, #tpu.memory_space<vmem>> -> memref<512xi32, #tpu.memory_space<vmem>>
    %dma_start3A_86 = tpu.memref_slice %arg3[%dma_start3A_79, %mul3A_78] : memref<26x16384xi32, #tpu.memory_space<hbm>> -> memref<1x512xi32, #tpu.memory_space<hbm>>
    %dma_start3A_87 = tpu.memref_squeeze %dma_start3A_86 : memref<1x512xi32, #tpu.memory_space<hbm>> -> memref<512xi32, #tpu.memory_space<hbm>>
    tpu.enqueue_dma source(%dma_start3A_87 : memref<512xi32, #tpu.memory_space<hbm>>) target(%dma_start3A_85 : memref<512xi32, #tpu.memory_space<vmem>>) target_semaphore(%arg8 : memref<!tpu.dma_semaphore, #tpu.memory_space<semaphore_mem>>)
    %mul3A_88 = arith.constant 512 : i32
    %mul3A_89 = arith.muli %add3A, %mul3A_88 : i32
    %dma_start3A_90 = arith.constant 8 : i32
    %dma_start3A_91 = arith.constant 4096 : i32
    %dma_start3A_92 = tpu.memref_slice %arg5[%dma_start3A_91] : memref<13312xi32, #tpu.memory_space<vmem>> -> memref<512xi32, #tpu.memory_space<vmem>>
    %dma_start3A_93 = tpu.memref_slice %arg3[%dma_start3A_90, %mul3A_89] : memref<26x16384xi32, #tpu.memory_space<hbm>> -> memref<1x512xi32, #tpu.memory_space<hbm>>
    %dma_start3A_94 = tpu.memref_squeeze %dma_start3A_93 : memref<1x512xi32, #tpu.memory_space<hbm>> -> memref<512xi32, #tpu.memory_space<hbm>>
    %dma_start3A_95 = arith.constant 4096 : i32
    %dma_start3A_96 = tpu.memref_slice %arg5[%dma_start3A_95] : memref<13312xi32, #tpu.memory_space<vmem>> -> memref<512xi32, #tpu.memory_space<vmem>>
    %dma_start3A_97 = tpu.memref_slice %arg3[%dma_start3A_90, %mul3A_89] : memref<26x16384xi32, #tpu.memory_space<hbm>> -> memref<1x512xi32, #tpu.memory_space<hbm>>
    %dma_start3A_98 = tpu.memref_squeeze %dma_start3A_97 : memref<1x512xi32, #tpu.memory_space<hbm>> -> memref<512xi32, #tpu.memory_space<hbm>>
    tpu.enqueue_dma source(%dma_start3A_98 : memref<512xi32, #tpu.memory_space<hbm>>) target(%dma_start3A_96 : memref<512xi32, #tpu.memory_space<vmem>>) target_semaphore(%arg8 : memref<!tpu.dma_semaphore, #tpu.memory_space<semaphore_mem>>)
    %mul3A_99 = arith.constant 512 : i32
    %mul3A_100 = arith.muli %add3A, %mul3A_99 : i32
    %dma_start3A_101 = arith.constant 9 : i32
    %dma_start3A_102 = arith.constant 4608 : i32
    %dma_start3A_103 = tpu.memref_slice %arg5[%dma_start3A_102] : memref<13312xi32, #tpu.memory_space<vmem>> -> memref<512xi32, #tpu.memory_space<vmem>>
    %dma_start3A_104 = tpu.memref_slice %arg3[%dma_start3A_101, %mul3A_100] : memref<26x16384xi32, #tpu.memory_space<hbm>> -> memref<1x512xi32, #tpu.memory_space<hbm>>
    %dma_start3A_105 = tpu.memref_squeeze %dma_start3A_104 : memref<1x512xi32, #tpu.memory_space<hbm>> -> memref<512xi32, #tpu.memory_space<hbm>>
    %dma_start3A_106 = arith.constant 4608 : i32
    %dma_start3A_107 = tpu.memref_slice %arg5[%dma_start3A_106] : memref<13312xi32, #tpu.memory_space<vmem>> -> memref<512xi32, #tpu.memory_space<vmem>>
    %dma_start3A_108 = tpu.memref_slice %arg3[%dma_start3A_101, %mul3A_100] : memref<26x16384xi32, #tpu.memory_space<hbm>> -> memref<1x512xi32, #tpu.memory_space<hbm>>
    %dma_start3A_109 = tpu.memref_squeeze %dma_start3A_108 : memref<1x512xi32, #tpu.memory_space<hbm>> -> memref<512xi32, #tpu.memory_space<hbm>>
    tpu.enqueue_dma source(%dma_start3A_109 : memref<512xi32, #tpu.memory_space<hbm>>) target(%dma_start3A_107 : memref<512xi32, #tpu.memory_space<vmem>>) target_semaphore(%arg8 : memref<!tpu.dma_semaphore, #tpu.memory_space<semaphore_mem>>)
    %mul3A_110 = arith.constant 512 : i32
    %mul3A_111 = arith.muli %add3A, %mul3A_110 : i32
    %dma_start3A_112 = arith.constant 10 : i32
    %dma_start3A_113 = arith.constant 5120 : i32
    %dma_start3A_114 = tpu.memref_slice %arg5[%dma_start3A_113] : memref<13312xi32, #tpu.memory_space<vmem>> -> memref<512xi32, #tpu.memory_space<vmem>>
    %dma_start3A_115 = tpu.memref_slice %arg3[%dma_start3A_112, %mul3A_111] : memref<26x16384xi32, #tpu.memory_space<hbm>> -> memref<1x512xi32, #tpu.memory_space<hbm>>
    %dma_start3A_116 = tpu.memref_squeeze %dma_start3A_115 : memref<1x512xi32, #tpu.memory_space<hbm>> -> memref<512xi32, #tpu.memory_space<hbm>>
    %dma_start3A_117 = arith.constant 5120 : i32
    %dma_start3A_118 = tpu.memref_slice %arg5[%dma_start3A_117] : memref<13312xi32, #tpu.memory_space<vmem>> -> memref<512xi32, #tpu.memory_space<vmem>>
    %dma_start3A_119 = tpu.memref_slice %arg3[%dma_start3A_112, %mul3A_111] : memref<26x16384xi32, #tpu.memory_space<hbm>> -> memref<1x512xi32, #tpu.memory_space<hbm>>
    %dma_start3A_120 = tpu.memref_squeeze %dma_start3A_119 : memref<1x512xi32, #tpu.memory_space<hbm>> -> memref<512xi32, #tpu.memory_space<hbm>>
    tpu.enqueue_dma source(%dma_start3A_120 : memref<512xi32, #tpu.memory_space<hbm>>) target(%dma_start3A_118 : memref<512xi32, #tpu.memory_space<vmem>>) target_semaphore(%arg8 : memref<!tpu.dma_semaphore, #tpu.memory_space<semaphore_mem>>)
    %mul3A_121 = arith.constant 512 : i32
    %mul3A_122 = arith.muli %add3A, %mul3A_121 : i32
    %dma_start3A_123 = arith.constant 11 : i32
    %dma_start3A_124 = arith.constant 5632 : i32
    %dma_start3A_125 = tpu.memref_slice %arg5[%dma_start3A_124] : memref<13312xi32, #tpu.memory_space<vmem>> -> memref<512xi32, #tpu.memory_space<vmem>>
    %dma_start3A_126 = tpu.memref_slice %arg3[%dma_start3A_123, %mul3A_122] : memref<26x16384xi32, #tpu.memory_space<hbm>> -> memref<1x512xi32, #tpu.memory_space<hbm>>
    %dma_start3A_127 = tpu.memref_squeeze %dma_start3A_126 : memref<1x512xi32, #tpu.memory_space<hbm>> -> memref<512xi32, #tpu.memory_space<hbm>>
    %dma_start3A_128 = arith.constant 5632 : i32
    %dma_start3A_129 = tpu.memref_slice %arg5[%dma_start3A_128] : memref<13312xi32, #tpu.memory_space<vmem>> -> memref<512xi32, #tpu.memory_space<vmem>>
    %dma_start3A_130 = tpu.memref_slice %arg3[%dma_start3A_123, %mul3A_122] : memref<26x16384xi32, #tpu.memory_space<hbm>> -> memref<1x512xi32, #tpu.memory_space<hbm>>
    %dma_start3A_131 = tpu.memref_squeeze %dma_start3A_130 : memref<1x512xi32, #tpu.memory_space<hbm>> -> memref<512xi32, #tpu.memory_space<hbm>>
    tpu.enqueue_dma source(%dma_start3A_131 : memref<512xi32, #tpu.memory_space<hbm>>) target(%dma_start3A_129 : memref<512xi32, #tpu.memory_space<vmem>>) target_semaphore(%arg8 : memref<!tpu.dma_semaphore, #tpu.memory_space<semaphore_mem>>)
    %mul3A_132 = arith.constant 512 : i32
    %mul3A_133 = arith.muli %add3A, %mul3A_132 : i32
    %dma_start3A_134 = arith.constant 12 : i32
    %dma_start3A_135 = arith.constant 6144 : i32
    %dma_start3A_136 = tpu.memref_slice %arg5[%dma_start3A_135] : memref<13312xi32, #tpu.memory_space<vmem>> -> memref<512xi32, #tpu.memory_space<vmem>>
    %dma_start3A_137 = tpu.memref_slice %arg3[%dma_start3A_134, %mul3A_133] : memref<26x16384xi32, #tpu.memory_space<hbm>> -> memref<1x512xi32, #tpu.memory_space<hbm>>
    %dma_start3A_138 = tpu.memref_squeeze %dma_start3A_137 : memref<1x512xi32, #tpu.memory_space<hbm>> -> memref<512xi32, #tpu.memory_space<hbm>>
    %dma_start3A_139 = arith.constant 6144 : i32
    %dma_start3A_140 = tpu.memref_slice %arg5[%dma_start3A_139] : memref<13312xi32, #tpu.memory_space<vmem>> -> memref<512xi32, #tpu.memory_space<vmem>>
    %dma_start3A_141 = tpu.memref_slice %arg3[%dma_start3A_134, %mul3A_133] : memref<26x16384xi32, #tpu.memory_space<hbm>> -> memref<1x512xi32, #tpu.memory_space<hbm>>
    %dma_start3A_142 = tpu.memref_squeeze %dma_start3A_141 : memref<1x512xi32, #tpu.memory_space<hbm>> -> memref<512xi32, #tpu.memory_space<hbm>>
    tpu.enqueue_dma source(%dma_start3A_142 : memref<512xi32, #tpu.memory_space<hbm>>) target(%dma_start3A_140 : memref<512xi32, #tpu.memory_space<vmem>>) target_semaphore(%arg8 : memref<!tpu.dma_semaphore, #tpu.memory_space<semaphore_mem>>)
    %mul3A_143 = arith.constant 512 : i32
    %mul3A_144 = arith.muli %add3A, %mul3A_143 : i32
    %dma_start3A_145 = arith.constant 13 : i32
    %dma_start3A_146 = arith.constant 6656 : i32
    %dma_start3A_147 = tpu.memref_slice %arg5[%dma_start3A_146] : memref<13312xi32, #tpu.memory_space<vmem>> -> memref<512xi32, #tpu.memory_space<vmem>>
    %dma_start3A_148 = tpu.memref_slice %arg3[%dma_start3A_145, %mul3A_144] : memref<26x16384xi32, #tpu.memory_space<hbm>> -> memref<1x512xi32, #tpu.memory_space<hbm>>
    %dma_start3A_149 = tpu.memref_squeeze %dma_start3A_148 : memref<1x512xi32, #tpu.memory_space<hbm>> -> memref<512xi32, #tpu.memory_space<hbm>>
    %dma_start3A_150 = arith.constant 6656 : i32
    %dma_start3A_151 = tpu.memref_slice %arg5[%dma_start3A_150] : memref<13312xi32, #tpu.memory_space<vmem>> -> memref<512xi32, #tpu.memory_space<vmem>>
    %dma_start3A_152 = tpu.memref_slice %arg3[%dma_start3A_145, %mul3A_144] : memref<26x16384xi32, #tpu.memory_space<hbm>> -> memref<1x512xi32, #tpu.memory_space<hbm>>
    %dma_start3A_153 = tpu.memref_squeeze %dma_start3A_152 : memref<1x512xi32, #tpu.memory_space<hbm>> -> memref<512xi32, #tpu.memory_space<hbm>>
    tpu.enqueue_dma source(%dma_start3A_153 : memref<512xi32, #tpu.memory_space<hbm>>) target(%dma_start3A_151 : memref<512xi32, #tpu.memory_space<vmem>>) target_semaphore(%arg8 : memref<!tpu.dma_semaphore, #tpu.memory_space<semaphore_mem>>)
    %mul3A_154 = arith.constant 512 : i32
    %mul3A_155 = arith.muli %add3A, %mul3A_154 : i32
    %dma_start3A_156 = arith.constant 14 : i32
    %dma_start3A_157 = arith.constant 7168 : i32
    %dma_start3A_158 = tpu.memref_slice %arg5[%dma_start3A_157] : memref<13312xi32, #tpu.memory_space<vmem>> -> memref<512xi32, #tpu.memory_space<vmem>>
    %dma_start3A_159 = tpu.memref_slice %arg3[%dma_start3A_156, %mul3A_155] : memref<26x16384xi32, #tpu.memory_space<hbm>> -> memref<1x512xi32, #tpu.memory_space<hbm>>
    %dma_start3A_160 = tpu.memref_squeeze %dma_start3A_159 : memref<1x512xi32, #tpu.memory_space<hbm>> -> memref<512xi32, #tpu.memory_space<hbm>>
    %dma_start3A_161 = arith.constant 7168 : i32
    %dma_start3A_162 = tpu.memref_slice %arg5[%dma_start3A_161] : memref<13312xi32, #tpu.memory_space<vmem>> -> memref<512xi32, #tpu.memory_space<vmem>>
    %dma_start3A_163 = tpu.memref_slice %arg3[%dma_start3A_156, %mul3A_155] : memref<26x16384xi32, #tpu.memory_space<hbm>> -> memref<1x512xi32, #tpu.memory_space<hbm>>
    %dma_start3A_164 = tpu.memref_squeeze %dma_start3A_163 : memref<1x512xi32, #tpu.memory_space<hbm>> -> memref<512xi32, #tpu.memory_space<hbm>>
    tpu.enqueue_dma source(%dma_start3A_164 : memref<512xi32, #tpu.memory_space<hbm>>) target(%dma_start3A_162 : memref<512xi32, #tpu.memory_space<vmem>>) target_semaphore(%arg8 : memref<!tpu.dma_semaphore, #tpu.memory_space<semaphore_mem>>)
    %mul3A_165 = arith.constant 512 : i32
    %mul3A_166 = arith.muli %add3A, %mul3A_165 : i32
    %dma_start3A_167 = arith.constant 15 : i32
    %dma_start3A_168 = arith.constant 7680 : i32
    %dma_start3A_169 = tpu.memref_slice %arg5[%dma_start3A_168] : memref<13312xi32, #tpu.memory_space<vmem>> -> memref<512xi32, #tpu.memory_space<vmem>>
    %dma_start3A_170 = tpu.memref_slice %arg3[%dma_start3A_167, %mul3A_166] : memref<26x16384xi32, #tpu.memory_space<hbm>> -> memref<1x512xi32, #tpu.memory_space<hbm>>
    %dma_start3A_171 = tpu.memref_squeeze %dma_start3A_170 : memref<1x512xi32, #tpu.memory_space<hbm>> -> memref<512xi32, #tpu.memory_space<hbm>>
    %dma_start3A_172 = arith.constant 7680 : i32
    %dma_start3A_173 = tpu.memref_slice %arg5[%dma_start3A_172] : memref<13312xi32, #tpu.memory_space<vmem>> -> memref<512xi32, #tpu.memory_space<vmem>>
    %dma_start3A_174 = tpu.memref_slice %arg3[%dma_start3A_167, %mul3A_166] : memref<26x16384xi32, #tpu.memory_space<hbm>> -> memref<1x512xi32, #tpu.memory_space<hbm>>
    %dma_start3A_175 = tpu.memref_squeeze %dma_start3A_174 : memref<1x512xi32, #tpu.memory_space<hbm>> -> memref<512xi32, #tpu.memory_space<hbm>>
    tpu.enqueue_dma source(%dma_start3A_175 : memref<512xi32, #tpu.memory_space<hbm>>) target(%dma_start3A_173 : memref<512xi32, #tpu.memory_space<vmem>>) target_semaphore(%arg8 : memref<!tpu.dma_semaphore, #tpu.memory_space<semaphore_mem>>)
    %mul3A_176 = arith.constant 512 : i32
    %mul3A_177 = arith.muli %add3A, %mul3A_176 : i32
    %dma_start3A_178 = arith.constant 16 : i32
    %dma_start3A_179 = arith.constant 8192 : i32
    %dma_start3A_180 = tpu.memref_slice %arg5[%dma_start3A_179] : memref<13312xi32, #tpu.memory_space<vmem>> -> memref<512xi32, #tpu.memory_space<vmem>>
    %dma_start3A_181 = tpu.memref_slice %arg3[%dma_start3A_178, %mul3A_177] : memref<26x16384xi32, #tpu.memory_space<hbm>> -> memref<1x512xi32, #tpu.memory_space<hbm>>
    %dma_start3A_182 = tpu.memref_squeeze %dma_start3A_181 : memref<1x512xi32, #tpu.memory_space<hbm>> -> memref<512xi32, #tpu.memory_space<hbm>>
    %dma_start3A_183 = arith.constant 8192 : i32
    %dma_start3A_184 = tpu.memref_slice %arg5[%dma_start3A_183] : memref<13312xi32, #tpu.memory_space<vmem>> -> memref<512xi32, #tpu.memory_space<vmem>>
    %dma_start3A_185 = tpu.memref_slice %arg3[%dma_start3A_178, %mul3A_177] : memref<26x16384xi32, #tpu.memory_space<hbm>> -> memref<1x512xi32, #tpu.memory_space<hbm>>
    %dma_start3A_186 = tpu.memref_squeeze %dma_start3A_185 : memref<1x512xi32, #tpu.memory_space<hbm>> -> memref<512xi32, #tpu.memory_space<hbm>>
    tpu.enqueue_dma source(%dma_start3A_186 : memref<512xi32, #tpu.memory_space<hbm>>) target(%dma_start3A_184 : memref<512xi32, #tpu.memory_space<vmem>>) target_semaphore(%arg8 : memref<!tpu.dma_semaphore, #tpu.memory_space<semaphore_mem>>)
    %mul3A_187 = arith.constant 512 : i32
    %mul3A_188 = arith.muli %add3A, %mul3A_187 : i32
    %dma_start3A_189 = arith.constant 17 : i32
    %dma_start3A_190 = arith.constant 8704 : i32
    %dma_start3A_191 = tpu.memref_slice %arg5[%dma_start3A_190] : memref<13312xi32, #tpu.memory_space<vmem>> -> memref<512xi32, #tpu.memory_space<vmem>>
    %dma_start3A_192 = tpu.memref_slice %arg3[%dma_start3A_189, %mul3A_188] : memref<26x16384xi32, #tpu.memory_space<hbm>> -> memref<1x512xi32, #tpu.memory_space<hbm>>
    %dma_start3A_193 = tpu.memref_squeeze %dma_start3A_192 : memref<1x512xi32, #tpu.memory_space<hbm>> -> memref<512xi32, #tpu.memory_space<hbm>>
    %dma_start3A_194 = arith.constant 8704 : i32
    %dma_start3A_195 = tpu.memref_slice %arg5[%dma_start3A_194] : memref<13312xi32, #tpu.memory_space<vmem>> -> memref<512xi32, #tpu.memory_space<vmem>>
    %dma_start3A_196 = tpu.memref_slice %arg3[%dma_start3A_189, %mul3A_188] : memref<26x16384xi32, #tpu.memory_space<hbm>> -> memref<1x512xi32, #tpu.memory_space<hbm>>
    %dma_start3A_197 = tpu.memref_squeeze %dma_start3A_196 : memref<1x512xi32, #tpu.memory_space<hbm>> -> memref<512xi32, #tpu.memory_space<hbm>>
    tpu.enqueue_dma source(%dma_start3A_197 : memref<512xi32, #tpu.memory_space<hbm>>) target(%dma_start3A_195 : memref<512xi32, #tpu.memory_space<vmem>>) target_semaphore(%arg8 : memref<!tpu.dma_semaphore, #tpu.memory_space<semaphore_mem>>)
    %mul3A_198 = arith.constant 512 : i32
    %mul3A_199 = arith.muli %add3A, %mul3A_198 : i32
    %dma_start3A_200 = arith.constant 18 : i32
    %dma_start3A_201 = arith.constant 9216 : i32
    %dma_start3A_202 = tpu.memref_slice %arg5[%dma_start3A_201] : memref<13312xi32, #tpu.memory_space<vmem>> -> memref<512xi32, #tpu.memory_space<vmem>>
    %dma_start3A_203 = tpu.memref_slice %arg3[%dma_start3A_200, %mul3A_199] : memref<26x16384xi32, #tpu.memory_space<hbm>> -> memref<1x512xi32, #tpu.memory_space<hbm>>
    %dma_start3A_204 = tpu.memref_squeeze %dma_start3A_203 : memref<1x512xi32, #tpu.memory_space<hbm>> -> memref<512xi32, #tpu.memory_space<hbm>>
    %dma_start3A_205 = arith.constant 9216 : i32
    %dma_start3A_206 = tpu.memref_slice %arg5[%dma_start3A_205] : memref<13312xi32, #tpu.memory_space<vmem>> -> memref<512xi32, #tpu.memory_space<vmem>>
    %dma_start3A_207 = tpu.memref_slice %arg3[%dma_start3A_200, %mul3A_199] : memref<26x16384xi32, #tpu.memory_space<hbm>> -> memref<1x512xi32, #tpu.memory_space<hbm>>
    %dma_start3A_208 = tpu.memref_squeeze %dma_start3A_207 : memref<1x512xi32, #tpu.memory_space<hbm>> -> memref<512xi32, #tpu.memory_space<hbm>>
    tpu.enqueue_dma source(%dma_start3A_208 : memref<512xi32, #tpu.memory_space<hbm>>) target(%dma_start3A_206 : memref<512xi32, #tpu.memory_space<vmem>>) target_semaphore(%arg8 : memref<!tpu.dma_semaphore, #tpu.memory_space<semaphore_mem>>)
    %mul3A_209 = arith.constant 512 : i32
    %mul3A_210 = arith.muli %add3A, %mul3A_209 : i32
    %dma_start3A_211 = arith.constant 19 : i32
    %dma_start3A_212 = arith.constant 9728 : i32
    %dma_start3A_213 = tpu.memref_slice %arg5[%dma_start3A_212] : memref<13312xi32, #tpu.memory_space<vmem>> -> memref<512xi32, #tpu.memory_space<vmem>>
    %dma_start3A_214 = tpu.memref_slice %arg3[%dma_start3A_211, %mul3A_210] : memref<26x16384xi32, #tpu.memory_space<hbm>> -> memref<1x512xi32, #tpu.memory_space<hbm>>
    %dma_start3A_215 = tpu.memref_squeeze %dma_start3A_214 : memref<1x512xi32, #tpu.memory_space<hbm>> -> memref<512xi32, #tpu.memory_space<hbm>>
    %dma_start3A_216 = arith.constant 9728 : i32
    %dma_start3A_217 = tpu.memref_slice %arg5[%dma_start3A_216] : memref<13312xi32, #tpu.memory_space<vmem>> -> memref<512xi32, #tpu.memory_space<vmem>>
    %dma_start3A_218 = tpu.memref_slice %arg3[%dma_start3A_211, %mul3A_210] : memref<26x16384xi32, #tpu.memory_space<hbm>> -> memref<1x512xi32, #tpu.memory_space<hbm>>
    %dma_start3A_219 = tpu.memref_squeeze %dma_start3A_218 : memref<1x512xi32, #tpu.memory_space<hbm>> -> memref<512xi32, #tpu.memory_space<hbm>>
    tpu.enqueue_dma source(%dma_start3A_219 : memref<512xi32, #tpu.memory_space<hbm>>) target(%dma_start3A_217 : memref<512xi32, #tpu.memory_space<vmem>>) target_semaphore(%arg8 : memref<!tpu.dma_semaphore, #tpu.memory_space<semaphore_mem>>)
    %mul3A_220 = arith.constant 512 : i32
    %mul3A_221 = arith.muli %add3A, %mul3A_220 : i32
    %dma_start3A_222 = arith.constant 20 : i32
    %dma_start3A_223 = arith.constant 10240 : i32
    %dma_start3A_224 = tpu.memref_slice %arg5[%dma_start3A_223] : memref<13312xi32, #tpu.memory_space<vmem>> -> memref<512xi32, #tpu.memory_space<vmem>>
    %dma_start3A_225 = tpu.memref_slice %arg3[%dma_start3A_222, %mul3A_221] : memref<26x16384xi32, #tpu.memory_space<hbm>> -> memref<1x512xi32, #tpu.memory_space<hbm>>
    %dma_start3A_226 = tpu.memref_squeeze %dma_start3A_225 : memref<1x512xi32, #tpu.memory_space<hbm>> -> memref<512xi32, #tpu.memory_space<hbm>>
    %dma_start3A_227 = arith.constant 10240 : i32
    %dma_start3A_228 = tpu.memref_slice %arg5[%dma_start3A_227] : memref<13312xi32, #tpu.memory_space<vmem>> -> memref<512xi32, #tpu.memory_space<vmem>>
    %dma_start3A_229 = tpu.memref_slice %arg3[%dma_start3A_222, %mul3A_221] : memref<26x16384xi32, #tpu.memory_space<hbm>> -> memref<1x512xi32, #tpu.memory_space<hbm>>
    %dma_start3A_230 = tpu.memref_squeeze %dma_start3A_229 : memref<1x512xi32, #tpu.memory_space<hbm>> -> memref<512xi32, #tpu.memory_space<hbm>>
    tpu.enqueue_dma source(%dma_start3A_230 : memref<512xi32, #tpu.memory_space<hbm>>) target(%dma_start3A_228 : memref<512xi32, #tpu.memory_space<vmem>>) target_semaphore(%arg8 : memref<!tpu.dma_semaphore, #tpu.memory_space<semaphore_mem>>)
    %mul3A_231 = arith.constant 512 : i32
    %mul3A_232 = arith.muli %add3A, %mul3A_231 : i32
    %dma_start3A_233 = arith.constant 21 : i32
    %dma_start3A_234 = arith.constant 10752 : i32
    %dma_start3A_235 = tpu.memref_slice %arg5[%dma_start3A_234] : memref<13312xi32, #tpu.memory_space<vmem>> -> memref<512xi32, #tpu.memory_space<vmem>>
    %dma_start3A_236 = tpu.memref_slice %arg3[%dma_start3A_233, %mul3A_232] : memref<26x16384xi32, #tpu.memory_space<hbm>> -> memref<1x512xi32, #tpu.memory_space<hbm>>
    %dma_start3A_237 = tpu.memref_squeeze %dma_start3A_236 : memref<1x512xi32, #tpu.memory_space<hbm>> -> memref<512xi32, #tpu.memory_space<hbm>>
    %dma_start3A_238 = arith.constant 10752 : i32
    %dma_start3A_239 = tpu.memref_slice %arg5[%dma_start3A_238] : memref<13312xi32, #tpu.memory_space<vmem>> -> memref<512xi32, #tpu.memory_space<vmem>>
    %dma_start3A_240 = tpu.memref_slice %arg3[%dma_start3A_233, %mul3A_232] : memref<26x16384xi32, #tpu.memory_space<hbm>> -> memref<1x512xi32, #tpu.memory_space<hbm>>
    %dma_start3A_241 = tpu.memref_squeeze %dma_start3A_240 : memref<1x512xi32, #tpu.memory_space<hbm>> -> memref<512xi32, #tpu.memory_space<hbm>>
    tpu.enqueue_dma source(%dma_start3A_241 : memref<512xi32, #tpu.memory_space<hbm>>) target(%dma_start3A_239 : memref<512xi32, #tpu.memory_space<vmem>>) target_semaphore(%arg8 : memref<!tpu.dma_semaphore, #tpu.memory_space<semaphore_mem>>)
    %mul3A_242 = arith.constant 512 : i32
    %mul3A_243 = arith.muli %add3A, %mul3A_242 : i32
    %dma_start3A_244 = arith.constant 22 : i32
    %dma_start3A_245 = arith.constant 11264 : i32
    %dma_start3A_246 = tpu.memref_slice %arg5[%dma_start3A_245] : memref<13312xi32, #tpu.memory_space<vmem>> -> memref<512xi32, #tpu.memory_space<vmem>>
    %dma_start3A_247 = tpu.memref_slice %arg3[%dma_start3A_244, %mul3A_243] : memref<26x16384xi32, #tpu.memory_space<hbm>> -> memref<1x512xi32, #tpu.memory_space<hbm>>
    %dma_start3A_248 = tpu.memref_squeeze %dma_start3A_247 : memref<1x512xi32, #tpu.memory_space<hbm>> -> memref<512xi32, #tpu.memory_space<hbm>>
    %dma_start3A_249 = arith.constant 11264 : i32
    %dma_start3A_250 = tpu.memref_slice %arg5[%dma_start3A_249] : memref<13312xi32, #tpu.memory_space<vmem>> -> memref<512xi32, #tpu.memory_space<vmem>>
    %dma_start3A_251 = tpu.memref_slice %arg3[%dma_start3A_244, %mul3A_243] : memref<26x16384xi32, #tpu.memory_space<hbm>> -> memref<1x512xi32, #tpu.memory_space<hbm>>
    %dma_start3A_252 = tpu.memref_squeeze %dma_start3A_251 : memref<1x512xi32, #tpu.memory_space<hbm>> -> memref<512xi32, #tpu.memory_space<hbm>>
    tpu.enqueue_dma source(%dma_start3A_252 : memref<512xi32, #tpu.memory_space<hbm>>) target(%dma_start3A_250 : memref<512xi32, #tpu.memory_space<vmem>>) target_semaphore(%arg8 : memref<!tpu.dma_semaphore, #tpu.memory_space<semaphore_mem>>)
    %mul3A_253 = arith.constant 512 : i32
    %mul3A_254 = arith.muli %add3A, %mul3A_253 : i32
    %dma_start3A_255 = arith.constant 23 : i32
    %dma_start3A_256 = arith.constant 11776 : i32
    %dma_start3A_257 = tpu.memref_slice %arg5[%dma_start3A_256] : memref<13312xi32, #tpu.memory_space<vmem>> -> memref<512xi32, #tpu.memory_space<vmem>>
    %dma_start3A_258 = tpu.memref_slice %arg3[%dma_start3A_255, %mul3A_254] : memref<26x16384xi32, #tpu.memory_space<hbm>> -> memref<1x512xi32, #tpu.memory_space<hbm>>
    %dma_start3A_259 = tpu.memref_squeeze %dma_start3A_258 : memref<1x512xi32, #tpu.memory_space<hbm>> -> memref<512xi32, #tpu.memory_space<hbm>>
    %dma_start3A_260 = arith.constant 11776 : i32
    %dma_start3A_261 = tpu.memref_slice %arg5[%dma_start3A_260] : memref<13312xi32, #tpu.memory_space<vmem>> -> memref<512xi32, #tpu.memory_space<vmem>>
    %dma_start3A_262 = tpu.memref_slice %arg3[%dma_start3A_255, %mul3A_254] : memref<26x16384xi32, #tpu.memory_space<hbm>> -> memref<1x512xi32, #tpu.memory_space<hbm>>
    %dma_start3A_263 = tpu.memref_squeeze %dma_start3A_262 : memref<1x512xi32, #tpu.memory_space<hbm>> -> memref<512xi32, #tpu.memory_space<hbm>>
    tpu.enqueue_dma source(%dma_start3A_263 : memref<512xi32, #tpu.memory_space<hbm>>) target(%dma_start3A_261 : memref<512xi32, #tpu.memory_space<vmem>>) target_semaphore(%arg8 : memref<!tpu.dma_semaphore, #tpu.memory_space<semaphore_mem>>)
    %mul3A_264 = arith.constant 512 : i32
    %mul3A_265 = arith.muli %add3A, %mul3A_264 : i32
    %dma_start3A_266 = arith.constant 24 : i32
    %dma_start3A_267 = arith.constant 12288 : i32
    %dma_start3A_268 = tpu.memref_slice %arg5[%dma_start3A_267] : memref<13312xi32, #tpu.memory_space<vmem>> -> memref<512xi32, #tpu.memory_space<vmem>>
    %dma_start3A_269 = tpu.memref_slice %arg3[%dma_start3A_266, %mul3A_265] : memref<26x16384xi32, #tpu.memory_space<hbm>> -> memref<1x512xi32, #tpu.memory_space<hbm>>
    %dma_start3A_270 = tpu.memref_squeeze %dma_start3A_269 : memref<1x512xi32, #tpu.memory_space<hbm>> -> memref<512xi32, #tpu.memory_space<hbm>>
    %dma_start3A_271 = arith.constant 12288 : i32
    %dma_start3A_272 = tpu.memref_slice %arg5[%dma_start3A_271] : memref<13312xi32, #tpu.memory_space<vmem>> -> memref<512xi32, #tpu.memory_space<vmem>>
    %dma_start3A_273 = tpu.memref_slice %arg3[%dma_start3A_266, %mul3A_265] : memref<26x16384xi32, #tpu.memory_space<hbm>> -> memref<1x512xi32, #tpu.memory_space<hbm>>
    %dma_start3A_274 = tpu.memref_squeeze %dma_start3A_273 : memref<1x512xi32, #tpu.memory_space<hbm>> -> memref<512xi32, #tpu.memory_space<hbm>>
    tpu.enqueue_dma source(%dma_start3A_274 : memref<512xi32, #tpu.memory_space<hbm>>) target(%dma_start3A_272 : memref<512xi32, #tpu.memory_space<vmem>>) target_semaphore(%arg8 : memref<!tpu.dma_semaphore, #tpu.memory_space<semaphore_mem>>)
    %mul3A_275 = arith.constant 512 : i32
    %mul3A_276 = arith.muli %add3A, %mul3A_275 : i32
    %dma_start3A_277 = arith.constant 25 : i32
    %dma_start3A_278 = arith.constant 12800 : i32
    %dma_start3A_279 = tpu.memref_slice %arg5[%dma_start3A_278] : memref<13312xi32, #tpu.memory_space<vmem>> -> memref<512xi32, #tpu.memory_space<vmem>>
    %dma_start3A_280 = tpu.memref_slice %arg3[%dma_start3A_277, %mul3A_276] : memref<26x16384xi32, #tpu.memory_space<hbm>> -> memref<1x512xi32, #tpu.memory_space<hbm>>
    %dma_start3A_281 = tpu.memref_squeeze %dma_start3A_280 : memref<1x512xi32, #tpu.memory_space<hbm>> -> memref<512xi32, #tpu.memory_space<hbm>>
    %dma_start3A_282 = arith.constant 12800 : i32
    %dma_start3A_283 = tpu.memref_slice %arg5[%dma_start3A_282] : memref<13312xi32, #tpu.memory_space<vmem>> -> memref<512xi32, #tpu.memory_space<vmem>>
    %dma_start3A_284 = tpu.memref_slice %arg3[%dma_start3A_277, %mul3A_276] : memref<26x16384xi32, #tpu.memory_space<hbm>> -> memref<1x512xi32, #tpu.memory_space<hbm>>
    %dma_start3A_285 = tpu.memref_squeeze %dma_start3A_284 : memref<1x512xi32, #tpu.memory_space<hbm>> -> memref<512xi32, #tpu.memory_space<hbm>>
    tpu.enqueue_dma source(%dma_start3A_285 : memref<512xi32, #tpu.memory_space<hbm>>) target(%dma_start3A_283 : memref<512xi32, #tpu.memory_space<vmem>>) target_semaphore(%arg8 : memref<!tpu.dma_semaphore, #tpu.memory_space<semaphore_mem>>)
    %dma_wait3A = arith.constant 0 : i32
    %dma_wait3A_286 = arith.constant 0 : i32
    %dma_wait3A_287 = tpu.memref_slice %arg5[%dma_wait3A_286] : memref<13312xi32, #tpu.memory_space<vmem>> -> memref<512xi32, #tpu.memory_space<vmem>>
    %dma_wait3A_288 = tpu.memref_slice %arg3[%dma_wait3A, %mul3A_2] : memref<26x16384xi32, #tpu.memory_space<hbm>> -> memref<1x512xi32, #tpu.memory_space<hbm>>
    %dma_wait3A_289 = tpu.memref_squeeze %dma_wait3A_288 : memref<1x512xi32, #tpu.memory_space<hbm>> -> memref<512xi32, #tpu.memory_space<hbm>>
    %dma_wait3A_290 = arith.constant 0 : i32
    %dma_wait3A_291 = tpu.memref_slice %arg5[%dma_wait3A_290] : memref<13312xi32, #tpu.memory_space<vmem>> -> memref<512xi32, #tpu.memory_space<vmem>>
    %dma_wait3A_292 = tpu.memref_slice %arg3[%dma_wait3A, %mul3A_2] : memref<26x16384xi32, #tpu.memory_space<hbm>> -> memref<1x512xi32, #tpu.memory_space<hbm>>
    %dma_wait3A_293 = tpu.memref_squeeze %dma_wait3A_292 : memref<1x512xi32, #tpu.memory_space<hbm>> -> memref<512xi32, #tpu.memory_space<hbm>>
    tpu.wait_dma2 semaphore(%arg8 : memref<!tpu.dma_semaphore, #tpu.memory_space<semaphore_mem>>) src(%dma_wait3A_293 : memref<512xi32, #tpu.memory_space<hbm>>) dst(%dma_wait3A_291 : memref<512xi32, #tpu.memory_space<vmem>>)
    %dma_wait3A_294 = arith.constant 1 : i32
    %dma_wait3A_295 = arith.constant 512 : i32
    %dma_wait3A_296 = tpu.memref_slice %arg5[%dma_wait3A_295] : memref<13312xi32, #tpu.memory_space<vmem>> -> memref<512xi32, #tpu.memory_space<vmem>>
    %dma_wait3A_297 = tpu.memref_slice %arg3[%dma_wait3A_294, %mul3A_12] : memref<26x16384xi32, #tpu.memory_space<hbm>> -> memref<1x512xi32, #tpu.memory_space<hbm>>
    %dma_wait3A_298 = tpu.memref_squeeze %dma_wait3A_297 : memref<1x512xi32, #tpu.memory_space<hbm>> -> memref<512xi32, #tpu.memory_space<hbm>>
    %dma_wait3A_299 = arith.constant 512 : i32
    %dma_wait3A_300 = tpu.memref_slice %arg5[%dma_wait3A_299] : memref<13312xi32, #tpu.memory_space<vmem>> -> memref<512xi32, #tpu.memory_space<vmem>>
    %dma_wait3A_301 = tpu.memref_slice %arg3[%dma_wait3A_294, %mul3A_12] : memref<26x16384xi32, #tpu.memory_space<hbm>> -> memref<1x512xi32, #tpu.memory_space<hbm>>
    %dma_wait3A_302 = tpu.memref_squeeze %dma_wait3A_301 : memref<1x512xi32, #tpu.memory_space<hbm>> -> memref<512xi32, #tpu.memory_space<hbm>>
    tpu.wait_dma2 semaphore(%arg8 : memref<!tpu.dma_semaphore, #tpu.memory_space<semaphore_mem>>) src(%dma_wait3A_302 : memref<512xi32, #tpu.memory_space<hbm>>) dst(%dma_wait3A_300 : memref<512xi32, #tpu.memory_space<vmem>>)
    %dma_wait3A_303 = arith.constant 2 : i32
    %dma_wait3A_304 = arith.constant 1024 : i32
    %dma_wait3A_305 = tpu.memref_slice %arg5[%dma_wait3A_304] : memref<13312xi32, #tpu.memory_space<vmem>> -> memref<512xi32, #tpu.memory_space<vmem>>
    %dma_wait3A_306 = tpu.memref_slice %arg3[%dma_wait3A_303, %mul3A_23] : memref<26x16384xi32, #tpu.memory_space<hbm>> -> memref<1x512xi32, #tpu.memory_space<hbm>>
    %dma_wait3A_307 = tpu.memref_squeeze %dma_wait3A_306 : memref<1x512xi32, #tpu.memory_space<hbm>> -> memref<512xi32, #tpu.memory_space<hbm>>
    %dma_wait3A_308 = arith.constant 1024 : i32
    %dma_wait3A_309 = tpu.memref_slice %arg5[%dma_wait3A_308] : memref<13312xi32, #tpu.memory_space<vmem>> -> memref<512xi32, #tpu.memory_space<vmem>>
    %dma_wait3A_310 = tpu.memref_slice %arg3[%dma_wait3A_303, %mul3A_23] : memref<26x16384xi32, #tpu.memory_space<hbm>> -> memref<1x512xi32, #tpu.memory_space<hbm>>
    %dma_wait3A_311 = tpu.memref_squeeze %dma_wait3A_310 : memref<1x512xi32, #tpu.memory_space<hbm>> -> memref<512xi32, #tpu.memory_space<hbm>>
    tpu.wait_dma2 semaphore(%arg8 : memref<!tpu.dma_semaphore, #tpu.memory_space<semaphore_mem>>) src(%dma_wait3A_311 : memref<512xi32, #tpu.memory_space<hbm>>) dst(%dma_wait3A_309 : memref<512xi32, #tpu.memory_space<vmem>>)
    %dma_wait3A_312 = arith.constant 3 : i32
    %dma_wait3A_313 = arith.constant 1536 : i32
    %dma_wait3A_314 = tpu.memref_slice %arg5[%dma_wait3A_313] : memref<13312xi32, #tpu.memory_space<vmem>> -> memref<512xi32, #tpu.memory_space<vmem>>
    %dma_wait3A_315 = tpu.memref_slice %arg3[%dma_wait3A_312, %mul3A_34] : memref<26x16384xi32, #tpu.memory_space<hbm>> -> memref<1x512xi32, #tpu.memory_space<hbm>>
    %dma_wait3A_316 = tpu.memref_squeeze %dma_wait3A_315 : memref<1x512xi32, #tpu.memory_space<hbm>> -> memref<512xi32, #tpu.memory_space<hbm>>
    %dma_wait3A_317 = arith.constant 1536 : i32
    %dma_wait3A_318 = tpu.memref_slice %arg5[%dma_wait3A_317] : memref<13312xi32, #tpu.memory_space<vmem>> -> memref<512xi32, #tpu.memory_space<vmem>>
    %dma_wait3A_319 = tpu.memref_slice %arg3[%dma_wait3A_312, %mul3A_34] : memref<26x16384xi32, #tpu.memory_space<hbm>> -> memref<1x512xi32, #tpu.memory_space<hbm>>
    %dma_wait3A_320 = tpu.memref_squeeze %dma_wait3A_319 : memref<1x512xi32, #tpu.memory_space<hbm>> -> memref<512xi32, #tpu.memory_space<hbm>>
    tpu.wait_dma2 semaphore(%arg8 : memref<!tpu.dma_semaphore, #tpu.memory_space<semaphore_mem>>) src(%dma_wait3A_320 : memref<512xi32, #tpu.memory_space<hbm>>) dst(%dma_wait3A_318 : memref<512xi32, #tpu.memory_space<vmem>>)
    %dma_wait3A_321 = arith.constant 4 : i32
    %dma_wait3A_322 = arith.constant 2048 : i32
    %dma_wait3A_323 = tpu.memref_slice %arg5[%dma_wait3A_322] : memref<13312xi32, #tpu.memory_space<vmem>> -> memref<512xi32, #tpu.memory_space<vmem>>
    %dma_wait3A_324 = tpu.memref_slice %arg3[%dma_wait3A_321, %mul3A_45] : memref<26x16384xi32, #tpu.memory_space<hbm>> -> memref<1x512xi32, #tpu.memory_space<hbm>>
    %dma_wait3A_325 = tpu.memref_squeeze %dma_wait3A_324 : memref<1x512xi32, #tpu.memory_space<hbm>> -> memref<512xi32, #tpu.memory_space<hbm>>
    %dma_wait3A_326 = arith.constant 2048 : i32
    %dma_wait3A_327 = tpu.memref_slice %arg5[%dma_wait3A_326] : memref<13312xi32, #tpu.memory_space<vmem>> -> memref<512xi32, #tpu.memory_space<vmem>>
    %dma_wait3A_328 = tpu.memref_slice %arg3[%dma_wait3A_321, %mul3A_45] : memref<26x16384xi32, #tpu.memory_space<hbm>> -> memref<1x512xi32, #tpu.memory_space<hbm>>
    %dma_wait3A_329 = tpu.memref_squeeze %dma_wait3A_328 : memref<1x512xi32, #tpu.memory_space<hbm>> -> memref<512xi32, #tpu.memory_space<hbm>>
    tpu.wait_dma2 semaphore(%arg8 : memref<!tpu.dma_semaphore, #tpu.memory_space<semaphore_mem>>) src(%dma_wait3A_329 : memref<512xi32, #tpu.memory_space<hbm>>) dst(%dma_wait3A_327 : memref<512xi32, #tpu.memory_space<vmem>>)
    %dma_wait3A_330 = arith.constant 5 : i32
    %dma_wait3A_331 = arith.constant 2560 : i32
    %dma_wait3A_332 = tpu.memref_slice %arg5[%dma_wait3A_331] : memref<13312xi32, #tpu.memory_space<vmem>> -> memref<512xi32, #tpu.memory_space<vmem>>
    %dma_wait3A_333 = tpu.memref_slice %arg3[%dma_wait3A_330, %mul3A_56] : memref<26x16384xi32, #tpu.memory_space<hbm>> -> memref<1x512xi32, #tpu.memory_space<hbm>>
    %dma_wait3A_334 = tpu.memref_squeeze %dma_wait3A_333 : memref<1x512xi32, #tpu.memory_space<hbm>> -> memref<512xi32, #tpu.memory_space<hbm>>
    %dma_wait3A_335 = arith.constant 2560 : i32
    %dma_wait3A_336 = tpu.memref_slice %arg5[%dma_wait3A_335] : memref<13312xi32, #tpu.memory_space<vmem>> -> memref<512xi32, #tpu.memory_space<vmem>>
    %dma_wait3A_337 = tpu.memref_slice %arg3[%dma_wait3A_330, %mul3A_56] : memref<26x16384xi32, #tpu.memory_space<hbm>> -> memref<1x512xi32, #tpu.memory_space<hbm>>
    %dma_wait3A_338 = tpu.memref_squeeze %dma_wait3A_337 : memref<1x512xi32, #tpu.memory_space<hbm>> -> memref<512xi32, #tpu.memory_space<hbm>>
    tpu.wait_dma2 semaphore(%arg8 : memref<!tpu.dma_semaphore, #tpu.memory_space<semaphore_mem>>) src(%dma_wait3A_338 : memref<512xi32, #tpu.memory_space<hbm>>) dst(%dma_wait3A_336 : memref<512xi32, #tpu.memory_space<vmem>>)
    %dma_wait3A_339 = arith.constant 6 : i32
    %dma_wait3A_340 = arith.constant 3072 : i32
    %dma_wait3A_341 = tpu.memref_slice %arg5[%dma_wait3A_340] : memref<13312xi32, #tpu.memory_space<vmem>> -> memref<512xi32, #tpu.memory_space<vmem>>
    %dma_wait3A_342 = tpu.memref_slice %arg3[%dma_wait3A_339, %mul3A_67] : memref<26x16384xi32, #tpu.memory_space<hbm>> -> memref<1x512xi32, #tpu.memory_space<hbm>>
    %dma_wait3A_343 = tpu.memref_squeeze %dma_wait3A_342 : memref<1x512xi32, #tpu.memory_space<hbm>> -> memref<512xi32, #tpu.memory_space<hbm>>
    %dma_wait3A_344 = arith.constant 3072 : i32
    %dma_wait3A_345 = tpu.memref_slice %arg5[%dma_wait3A_344] : memref<13312xi32, #tpu.memory_space<vmem>> -> memref<512xi32, #tpu.memory_space<vmem>>
    %dma_wait3A_346 = tpu.memref_slice %arg3[%dma_wait3A_339, %mul3A_67] : memref<26x16384xi32, #tpu.memory_space<hbm>> -> memref<1x512xi32, #tpu.memory_space<hbm>>
    %dma_wait3A_347 = tpu.memref_squeeze %dma_wait3A_346 : memref<1x512xi32, #tpu.memory_space<hbm>> -> memref<512xi32, #tpu.memory_space<hbm>>
    tpu.wait_dma2 semaphore(%arg8 : memref<!tpu.dma_semaphore, #tpu.memory_space<semaphore_mem>>) src(%dma_wait3A_347 : memref<512xi32, #tpu.memory_space<hbm>>) dst(%dma_wait3A_345 : memref<512xi32, #tpu.memory_space<vmem>>)
    %dma_wait3A_348 = arith.constant 7 : i32
    %dma_wait3A_349 = arith.constant 3584 : i32
    %dma_wait3A_350 = tpu.memref_slice %arg5[%dma_wait3A_349] : memref<13312xi32, #tpu.memory_space<vmem>> -> memref<512xi32, #tpu.memory_space<vmem>>
    %dma_wait3A_351 = tpu.memref_slice %arg3[%dma_wait3A_348, %mul3A_78] : memref<26x16384xi32, #tpu.memory_space<hbm>> -> memref<1x512xi32, #tpu.memory_space<hbm>>
    %dma_wait3A_352 = tpu.memref_squeeze %dma_wait3A_351 : memref<1x512xi32, #tpu.memory_space<hbm>> -> memref<512xi32, #tpu.memory_space<hbm>>
    %dma_wait3A_353 = arith.constant 3584 : i32
    %dma_wait3A_354 = tpu.memref_slice %arg5[%dma_wait3A_353] : memref<13312xi32, #tpu.memory_space<vmem>> -> memref<512xi32, #tpu.memory_space<vmem>>
    %dma_wait3A_355 = tpu.memref_slice %arg3[%dma_wait3A_348, %mul3A_78] : memref<26x16384xi32, #tpu.memory_space<hbm>> -> memref<1x512xi32, #tpu.memory_space<hbm>>
    %dma_wait3A_356 = tpu.memref_squeeze %dma_wait3A_355 : memref<1x512xi32, #tpu.memory_space<hbm>> -> memref<512xi32, #tpu.memory_space<hbm>>
    tpu.wait_dma2 semaphore(%arg8 : memref<!tpu.dma_semaphore, #tpu.memory_space<semaphore_mem>>) src(%dma_wait3A_356 : memref<512xi32, #tpu.memory_space<hbm>>) dst(%dma_wait3A_354 : memref<512xi32, #tpu.memory_space<vmem>>)
    %dma_wait3A_357 = arith.constant 8 : i32
    %dma_wait3A_358 = arith.constant 4096 : i32
    %dma_wait3A_359 = tpu.memref_slice %arg5[%dma_wait3A_358] : memref<13312xi32, #tpu.memory_space<vmem>> -> memref<512xi32, #tpu.memory_space<vmem>>
    %dma_wait3A_360 = tpu.memref_slice %arg3[%dma_wait3A_357, %mul3A_89] : memref<26x16384xi32, #tpu.memory_space<hbm>> -> memref<1x512xi32, #tpu.memory_space<hbm>>
    %dma_wait3A_361 = tpu.memref_squeeze %dma_wait3A_360 : memref<1x512xi32, #tpu.memory_space<hbm>> -> memref<512xi32, #tpu.memory_space<hbm>>
    %dma_wait3A_362 = arith.constant 4096 : i32
    %dma_wait3A_363 = tpu.memref_slice %arg5[%dma_wait3A_362] : memref<13312xi32, #tpu.memory_space<vmem>> -> memref<512xi32, #tpu.memory_space<vmem>>
    %dma_wait3A_364 = tpu.memref_slice %arg3[%dma_wait3A_357, %mul3A_89] : memref<26x16384xi32, #tpu.memory_space<hbm>> -> memref<1x512xi32, #tpu.memory_space<hbm>>
    %dma_wait3A_365 = tpu.memref_squeeze %dma_wait3A_364 : memref<1x512xi32, #tpu.memory_space<hbm>> -> memref<512xi32, #tpu.memory_space<hbm>>
    tpu.wait_dma2 semaphore(%arg8 : memref<!tpu.dma_semaphore, #tpu.memory_space<semaphore_mem>>) src(%dma_wait3A_365 : memref<512xi32, #tpu.memory_space<hbm>>) dst(%dma_wait3A_363 : memref<512xi32, #tpu.memory_space<vmem>>)
    %dma_wait3A_366 = arith.constant 9 : i32
    %dma_wait3A_367 = arith.constant 4608 : i32
    %dma_wait3A_368 = tpu.memref_slice %arg5[%dma_wait3A_367] : memref<13312xi32, #tpu.memory_space<vmem>> -> memref<512xi32, #tpu.memory_space<vmem>>
    %dma_wait3A_369 = tpu.memref_slice %arg3[%dma_wait3A_366, %mul3A_100] : memref<26x16384xi32, #tpu.memory_space<hbm>> -> memref<1x512xi32, #tpu.memory_space<hbm>>
    %dma_wait3A_370 = tpu.memref_squeeze %dma_wait3A_369 : memref<1x512xi32, #tpu.memory_space<hbm>> -> memref<512xi32, #tpu.memory_space<hbm>>
    %dma_wait3A_371 = arith.constant 4608 : i32
    %dma_wait3A_372 = tpu.memref_slice %arg5[%dma_wait3A_371] : memref<13312xi32, #tpu.memory_space<vmem>> -> memref<512xi32, #tpu.memory_space<vmem>>
    %dma_wait3A_373 = tpu.memref_slice %arg3[%dma_wait3A_366, %mul3A_100] : memref<26x16384xi32, #tpu.memory_space<hbm>> -> memref<1x512xi32, #tpu.memory_space<hbm>>
    %dma_wait3A_374 = tpu.memref_squeeze %dma_wait3A_373 : memref<1x512xi32, #tpu.memory_space<hbm>> -> memref<512xi32, #tpu.memory_space<hbm>>
    tpu.wait_dma2 semaphore(%arg8 : memref<!tpu.dma_semaphore, #tpu.memory_space<semaphore_mem>>) src(%dma_wait3A_374 : memref<512xi32, #tpu.memory_space<hbm>>) dst(%dma_wait3A_372 : memref<512xi32, #tpu.memory_space<vmem>>)
    %dma_wait3A_375 = arith.constant 10 : i32
    %dma_wait3A_376 = arith.constant 5120 : i32
    %dma_wait3A_377 = tpu.memref_slice %arg5[%dma_wait3A_376] : memref<13312xi32, #tpu.memory_space<vmem>> -> memref<512xi32, #tpu.memory_space<vmem>>
    %dma_wait3A_378 = tpu.memref_slice %arg3[%dma_wait3A_375, %mul3A_111] : memref<26x16384xi32, #tpu.memory_space<hbm>> -> memref<1x512xi32, #tpu.memory_space<hbm>>
    %dma_wait3A_379 = tpu.memref_squeeze %dma_wait3A_378 : memref<1x512xi32, #tpu.memory_space<hbm>> -> memref<512xi32, #tpu.memory_space<hbm>>
    %dma_wait3A_380 = arith.constant 5120 : i32
    %dma_wait3A_381 = tpu.memref_slice %arg5[%dma_wait3A_380] : memref<13312xi32, #tpu.memory_space<vmem>> -> memref<512xi32, #tpu.memory_space<vmem>>
    %dma_wait3A_382 = tpu.memref_slice %arg3[%dma_wait3A_375, %mul3A_111] : memref<26x16384xi32, #tpu.memory_space<hbm>> -> memref<1x512xi32, #tpu.memory_space<hbm>>
    %dma_wait3A_383 = tpu.memref_squeeze %dma_wait3A_382 : memref<1x512xi32, #tpu.memory_space<hbm>> -> memref<512xi32, #tpu.memory_space<hbm>>
    tpu.wait_dma2 semaphore(%arg8 : memref<!tpu.dma_semaphore, #tpu.memory_space<semaphore_mem>>) src(%dma_wait3A_383 : memref<512xi32, #tpu.memory_space<hbm>>) dst(%dma_wait3A_381 : memref<512xi32, #tpu.memory_space<vmem>>)
    %dma_wait3A_384 = arith.constant 11 : i32
    %dma_wait3A_385 = arith.constant 5632 : i32
    %dma_wait3A_386 = tpu.memref_slice %arg5[%dma_wait3A_385] : memref<13312xi32, #tpu.memory_space<vmem>> -> memref<512xi32, #tpu.memory_space<vmem>>
    %dma_wait3A_387 = tpu.memref_slice %arg3[%dma_wait3A_384, %mul3A_122] : memref<26x16384xi32, #tpu.memory_space<hbm>> -> memref<1x512xi32, #tpu.memory_space<hbm>>
    %dma_wait3A_388 = tpu.memref_squeeze %dma_wait3A_387 : memref<1x512xi32, #tpu.memory_space<hbm>> -> memref<512xi32, #tpu.memory_space<hbm>>
    %dma_wait3A_389 = arith.constant 5632 : i32
    %dma_wait3A_390 = tpu.memref_slice %arg5[%dma_wait3A_389] : memref<13312xi32, #tpu.memory_space<vmem>> -> memref<512xi32, #tpu.memory_space<vmem>>
    %dma_wait3A_391 = tpu.memref_slice %arg3[%dma_wait3A_384, %mul3A_122] : memref<26x16384xi32, #tpu.memory_space<hbm>> -> memref<1x512xi32, #tpu.memory_space<hbm>>
    %dma_wait3A_392 = tpu.memref_squeeze %dma_wait3A_391 : memref<1x512xi32, #tpu.memory_space<hbm>> -> memref<512xi32, #tpu.memory_space<hbm>>
    tpu.wait_dma2 semaphore(%arg8 : memref<!tpu.dma_semaphore, #tpu.memory_space<semaphore_mem>>) src(%dma_wait3A_392 : memref<512xi32, #tpu.memory_space<hbm>>) dst(%dma_wait3A_390 : memref<512xi32, #tpu.memory_space<vmem>>)
    %dma_wait3A_393 = arith.constant 12 : i32
    %dma_wait3A_394 = arith.constant 6144 : i32
    %dma_wait3A_395 = tpu.memref_slice %arg5[%dma_wait3A_394] : memref<13312xi32, #tpu.memory_space<vmem>> -> memref<512xi32, #tpu.memory_space<vmem>>
    %dma_wait3A_396 = tpu.memref_slice %arg3[%dma_wait3A_393, %mul3A_133] : memref<26x16384xi32, #tpu.memory_space<hbm>> -> memref<1x512xi32, #tpu.memory_space<hbm>>
    %dma_wait3A_397 = tpu.memref_squeeze %dma_wait3A_396 : memref<1x512xi32, #tpu.memory_space<hbm>> -> memref<512xi32, #tpu.memory_space<hbm>>
    %dma_wait3A_398 = arith.constant 6144 : i32
    %dma_wait3A_399 = tpu.memref_slice %arg5[%dma_wait3A_398] : memref<13312xi32, #tpu.memory_space<vmem>> -> memref<512xi32, #tpu.memory_space<vmem>>
    %dma_wait3A_400 = tpu.memref_slice %arg3[%dma_wait3A_393, %mul3A_133] : memref<26x16384xi32, #tpu.memory_space<hbm>> -> memref<1x512xi32, #tpu.memory_space<hbm>>
    %dma_wait3A_401 = tpu.memref_squeeze %dma_wait3A_400 : memref<1x512xi32, #tpu.memory_space<hbm>> -> memref<512xi32, #tpu.memory_space<hbm>>
    tpu.wait_dma2 semaphore(%arg8 : memref<!tpu.dma_semaphore, #tpu.memory_space<semaphore_mem>>) src(%dma_wait3A_401 : memref<512xi32, #tpu.memory_space<hbm>>) dst(%dma_wait3A_399 : memref<512xi32, #tpu.memory_space<vmem>>)
    %dma_wait3A_402 = arith.constant 13 : i32
    %dma_wait3A_403 = arith.constant 6656 : i32
    %dma_wait3A_404 = tpu.memref_slice %arg5[%dma_wait3A_403] : memref<13312xi32, #tpu.memory_space<vmem>> -> memref<512xi32, #tpu.memory_space<vmem>>
    %dma_wait3A_405 = tpu.memref_slice %arg3[%dma_wait3A_402, %mul3A_144] : memref<26x16384xi32, #tpu.memory_space<hbm>> -> memref<1x512xi32, #tpu.memory_space<hbm>>
    %dma_wait3A_406 = tpu.memref_squeeze %dma_wait3A_405 : memref<1x512xi32, #tpu.memory_space<hbm>> -> memref<512xi32, #tpu.memory_space<hbm>>
    %dma_wait3A_407 = arith.constant 6656 : i32
    %dma_wait3A_408 = tpu.memref_slice %arg5[%dma_wait3A_407] : memref<13312xi32, #tpu.memory_space<vmem>> -> memref<512xi32, #tpu.memory_space<vmem>>
    %dma_wait3A_409 = tpu.memref_slice %arg3[%dma_wait3A_402, %mul3A_144] : memref<26x16384xi32, #tpu.memory_space<hbm>> -> memref<1x512xi32, #tpu.memory_space<hbm>>
    %dma_wait3A_410 = tpu.memref_squeeze %dma_wait3A_409 : memref<1x512xi32, #tpu.memory_space<hbm>> -> memref<512xi32, #tpu.memory_space<hbm>>
    tpu.wait_dma2 semaphore(%arg8 : memref<!tpu.dma_semaphore, #tpu.memory_space<semaphore_mem>>) src(%dma_wait3A_410 : memref<512xi32, #tpu.memory_space<hbm>>) dst(%dma_wait3A_408 : memref<512xi32, #tpu.memory_space<vmem>>)
    %dma_wait3A_411 = arith.constant 14 : i32
    %dma_wait3A_412 = arith.constant 7168 : i32
    %dma_wait3A_413 = tpu.memref_slice %arg5[%dma_wait3A_412] : memref<13312xi32, #tpu.memory_space<vmem>> -> memref<512xi32, #tpu.memory_space<vmem>>
    %dma_wait3A_414 = tpu.memref_slice %arg3[%dma_wait3A_411, %mul3A_155] : memref<26x16384xi32, #tpu.memory_space<hbm>> -> memref<1x512xi32, #tpu.memory_space<hbm>>
    %dma_wait3A_415 = tpu.memref_squeeze %dma_wait3A_414 : memref<1x512xi32, #tpu.memory_space<hbm>> -> memref<512xi32, #tpu.memory_space<hbm>>
    %dma_wait3A_416 = arith.constant 7168 : i32
    %dma_wait3A_417 = tpu.memref_slice %arg5[%dma_wait3A_416] : memref<13312xi32, #tpu.memory_space<vmem>> -> memref<512xi32, #tpu.memory_space<vmem>>
    %dma_wait3A_418 = tpu.memref_slice %arg3[%dma_wait3A_411, %mul3A_155] : memref<26x16384xi32, #tpu.memory_space<hbm>> -> memref<1x512xi32, #tpu.memory_space<hbm>>
    %dma_wait3A_419 = tpu.memref_squeeze %dma_wait3A_418 : memref<1x512xi32, #tpu.memory_space<hbm>> -> memref<512xi32, #tpu.memory_space<hbm>>
    tpu.wait_dma2 semaphore(%arg8 : memref<!tpu.dma_semaphore, #tpu.memory_space<semaphore_mem>>) src(%dma_wait3A_419 : memref<512xi32, #tpu.memory_space<hbm>>) dst(%dma_wait3A_417 : memref<512xi32, #tpu.memory_space<vmem>>)
    %dma_wait3A_420 = arith.constant 15 : i32
    %dma_wait3A_421 = arith.constant 7680 : i32
    %dma_wait3A_422 = tpu.memref_slice %arg5[%dma_wait3A_421] : memref<13312xi32, #tpu.memory_space<vmem>> -> memref<512xi32, #tpu.memory_space<vmem>>
    %dma_wait3A_423 = tpu.memref_slice %arg3[%dma_wait3A_420, %mul3A_166] : memref<26x16384xi32, #tpu.memory_space<hbm>> -> memref<1x512xi32, #tpu.memory_space<hbm>>
    %dma_wait3A_424 = tpu.memref_squeeze %dma_wait3A_423 : memref<1x512xi32, #tpu.memory_space<hbm>> -> memref<512xi32, #tpu.memory_space<hbm>>
    %dma_wait3A_425 = arith.constant 7680 : i32
    %dma_wait3A_426 = tpu.memref_slice %arg5[%dma_wait3A_425] : memref<13312xi32, #tpu.memory_space<vmem>> -> memref<512xi32, #tpu.memory_space<vmem>>
    %dma_wait3A_427 = tpu.memref_slice %arg3[%dma_wait3A_420, %mul3A_166] : memref<26x16384xi32, #tpu.memory_space<hbm>> -> memref<1x512xi32, #tpu.memory_space<hbm>>
    %dma_wait3A_428 = tpu.memref_squeeze %dma_wait3A_427 : memref<1x512xi32, #tpu.memory_space<hbm>> -> memref<512xi32, #tpu.memory_space<hbm>>
    tpu.wait_dma2 semaphore(%arg8 : memref<!tpu.dma_semaphore, #tpu.memory_space<semaphore_mem>>) src(%dma_wait3A_428 : memref<512xi32, #tpu.memory_space<hbm>>) dst(%dma_wait3A_426 : memref<512xi32, #tpu.memory_space<vmem>>)
    %dma_wait3A_429 = arith.constant 16 : i32
    %dma_wait3A_430 = arith.constant 8192 : i32
    %dma_wait3A_431 = tpu.memref_slice %arg5[%dma_wait3A_430] : memref<13312xi32, #tpu.memory_space<vmem>> -> memref<512xi32, #tpu.memory_space<vmem>>
    %dma_wait3A_432 = tpu.memref_slice %arg3[%dma_wait3A_429, %mul3A_177] : memref<26x16384xi32, #tpu.memory_space<hbm>> -> memref<1x512xi32, #tpu.memory_space<hbm>>
    %dma_wait3A_433 = tpu.memref_squeeze %dma_wait3A_432 : memref<1x512xi32, #tpu.memory_space<hbm>> -> memref<512xi32, #tpu.memory_space<hbm>>
    %dma_wait3A_434 = arith.constant 8192 : i32
    %dma_wait3A_435 = tpu.memref_slice %arg5[%dma_wait3A_434] : memref<13312xi32, #tpu.memory_space<vmem>> -> memref<512xi32, #tpu.memory_space<vmem>>
    %dma_wait3A_436 = tpu.memref_slice %arg3[%dma_wait3A_429, %mul3A_177] : memref<26x16384xi32, #tpu.memory_space<hbm>> -> memref<1x512xi32, #tpu.memory_space<hbm>>
    %dma_wait3A_437 = tpu.memref_squeeze %dma_wait3A_436 : memref<1x512xi32, #tpu.memory_space<hbm>> -> memref<512xi32, #tpu.memory_space<hbm>>
    tpu.wait_dma2 semaphore(%arg8 : memref<!tpu.dma_semaphore, #tpu.memory_space<semaphore_mem>>) src(%dma_wait3A_437 : memref<512xi32, #tpu.memory_space<hbm>>) dst(%dma_wait3A_435 : memref<512xi32, #tpu.memory_space<vmem>>)
    %dma_wait3A_438 = arith.constant 17 : i32
    %dma_wait3A_439 = arith.constant 8704 : i32
    %dma_wait3A_440 = tpu.memref_slice %arg5[%dma_wait3A_439] : memref<13312xi32, #tpu.memory_space<vmem>> -> memref<512xi32, #tpu.memory_space<vmem>>
    %dma_wait3A_441 = tpu.memref_slice %arg3[%dma_wait3A_438, %mul3A_188] : memref<26x16384xi32, #tpu.memory_space<hbm>> -> memref<1x512xi32, #tpu.memory_space<hbm>>
    %dma_wait3A_442 = tpu.memref_squeeze %dma_wait3A_441 : memref<1x512xi32, #tpu.memory_space<hbm>> -> memref<512xi32, #tpu.memory_space<hbm>>
    %dma_wait3A_443 = arith.constant 8704 : i32
    %dma_wait3A_444 = tpu.memref_slice %arg5[%dma_wait3A_443] : memref<13312xi32, #tpu.memory_space<vmem>> -> memref<512xi32, #tpu.memory_space<vmem>>
    %dma_wait3A_445 = tpu.memref_slice %arg3[%dma_wait3A_438, %mul3A_188] : memref<26x16384xi32, #tpu.memory_space<hbm>> -> memref<1x512xi32, #tpu.memory_space<hbm>>
    %dma_wait3A_446 = tpu.memref_squeeze %dma_wait3A_445 : memref<1x512xi32, #tpu.memory_space<hbm>> -> memref<512xi32, #tpu.memory_space<hbm>>
    tpu.wait_dma2 semaphore(%arg8 : memref<!tpu.dma_semaphore, #tpu.memory_space<semaphore_mem>>) src(%dma_wait3A_446 : memref<512xi32, #tpu.memory_space<hbm>>) dst(%dma_wait3A_444 : memref<512xi32, #tpu.memory_space<vmem>>)
    %dma_wait3A_447 = arith.constant 18 : i32
    %dma_wait3A_448 = arith.constant 9216 : i32
    %dma_wait3A_449 = tpu.memref_slice %arg5[%dma_wait3A_448] : memref<13312xi32, #tpu.memory_space<vmem>> -> memref<512xi32, #tpu.memory_space<vmem>>
    %dma_wait3A_450 = tpu.memref_slice %arg3[%dma_wait3A_447, %mul3A_199] : memref<26x16384xi32, #tpu.memory_space<hbm>> -> memref<1x512xi32, #tpu.memory_space<hbm>>
    %dma_wait3A_451 = tpu.memref_squeeze %dma_wait3A_450 : memref<1x512xi32, #tpu.memory_space<hbm>> -> memref<512xi32, #tpu.memory_space<hbm>>
    %dma_wait3A_452 = arith.constant 9216 : i32
    %dma_wait3A_453 = tpu.memref_slice %arg5[%dma_wait3A_452] : memref<13312xi32, #tpu.memory_space<vmem>> -> memref<512xi32, #tpu.memory_space<vmem>>
    %dma_wait3A_454 = tpu.memref_slice %arg3[%dma_wait3A_447, %mul3A_199] : memref<26x16384xi32, #tpu.memory_space<hbm>> -> memref<1x512xi32, #tpu.memory_space<hbm>>
    %dma_wait3A_455 = tpu.memref_squeeze %dma_wait3A_454 : memref<1x512xi32, #tpu.memory_space<hbm>> -> memref<512xi32, #tpu.memory_space<hbm>>
    tpu.wait_dma2 semaphore(%arg8 : memref<!tpu.dma_semaphore, #tpu.memory_space<semaphore_mem>>) src(%dma_wait3A_455 : memref<512xi32, #tpu.memory_space<hbm>>) dst(%dma_wait3A_453 : memref<512xi32, #tpu.memory_space<vmem>>)
    %dma_wait3A_456 = arith.constant 19 : i32
    %dma_wait3A_457 = arith.constant 9728 : i32
    %dma_wait3A_458 = tpu.memref_slice %arg5[%dma_wait3A_457] : memref<13312xi32, #tpu.memory_space<vmem>> -> memref<512xi32, #tpu.memory_space<vmem>>
    %dma_wait3A_459 = tpu.memref_slice %arg3[%dma_wait3A_456, %mul3A_210] : memref<26x16384xi32, #tpu.memory_space<hbm>> -> memref<1x512xi32, #tpu.memory_space<hbm>>
    %dma_wait3A_460 = tpu.memref_squeeze %dma_wait3A_459 : memref<1x512xi32, #tpu.memory_space<hbm>> -> memref<512xi32, #tpu.memory_space<hbm>>
    %dma_wait3A_461 = arith.constant 9728 : i32
    %dma_wait3A_462 = tpu.memref_slice %arg5[%dma_wait3A_461] : memref<13312xi32, #tpu.memory_space<vmem>> -> memref<512xi32, #tpu.memory_space<vmem>>
    %dma_wait3A_463 = tpu.memref_slice %arg3[%dma_wait3A_456, %mul3A_210] : memref<26x16384xi32, #tpu.memory_space<hbm>> -> memref<1x512xi32, #tpu.memory_space<hbm>>
    %dma_wait3A_464 = tpu.memref_squeeze %dma_wait3A_463 : memref<1x512xi32, #tpu.memory_space<hbm>> -> memref<512xi32, #tpu.memory_space<hbm>>
    tpu.wait_dma2 semaphore(%arg8 : memref<!tpu.dma_semaphore, #tpu.memory_space<semaphore_mem>>) src(%dma_wait3A_464 : memref<512xi32, #tpu.memory_space<hbm>>) dst(%dma_wait3A_462 : memref<512xi32, #tpu.memory_space<vmem>>)
    %dma_wait3A_465 = arith.constant 20 : i32
    %dma_wait3A_466 = arith.constant 10240 : i32
    %dma_wait3A_467 = tpu.memref_slice %arg5[%dma_wait3A_466] : memref<13312xi32, #tpu.memory_space<vmem>> -> memref<512xi32, #tpu.memory_space<vmem>>
    %dma_wait3A_468 = tpu.memref_slice %arg3[%dma_wait3A_465, %mul3A_221] : memref<26x16384xi32, #tpu.memory_space<hbm>> -> memref<1x512xi32, #tpu.memory_space<hbm>>
    %dma_wait3A_469 = tpu.memref_squeeze %dma_wait3A_468 : memref<1x512xi32, #tpu.memory_space<hbm>> -> memref<512xi32, #tpu.memory_space<hbm>>
    %dma_wait3A_470 = arith.constant 10240 : i32
    %dma_wait3A_471 = tpu.memref_slice %arg5[%dma_wait3A_470] : memref<13312xi32, #tpu.memory_space<vmem>> -> memref<512xi32, #tpu.memory_space<vmem>>
    %dma_wait3A_472 = tpu.memref_slice %arg3[%dma_wait3A_465, %mul3A_221] : memref<26x16384xi32, #tpu.memory_space<hbm>> -> memref<1x512xi32, #tpu.memory_space<hbm>>
    %dma_wait3A_473 = tpu.memref_squeeze %dma_wait3A_472 : memref<1x512xi32, #tpu.memory_space<hbm>> -> memref<512xi32, #tpu.memory_space<hbm>>
    tpu.wait_dma2 semaphore(%arg8 : memref<!tpu.dma_semaphore, #tpu.memory_space<semaphore_mem>>) src(%dma_wait3A_473 : memref<512xi32, #tpu.memory_space<hbm>>) dst(%dma_wait3A_471 : memref<512xi32, #tpu.memory_space<vmem>>)
    %dma_wait3A_474 = arith.constant 21 : i32
    %dma_wait3A_475 = arith.constant 10752 : i32
    %dma_wait3A_476 = tpu.memref_slice %arg5[%dma_wait3A_475] : memref<13312xi32, #tpu.memory_space<vmem>> -> memref<512xi32, #tpu.memory_space<vmem>>
    %dma_wait3A_477 = tpu.memref_slice %arg3[%dma_wait3A_474, %mul3A_232] : memref<26x16384xi32, #tpu.memory_space<hbm>> -> memref<1x512xi32, #tpu.memory_space<hbm>>
    %dma_wait3A_478 = tpu.memref_squeeze %dma_wait3A_477 : memref<1x512xi32, #tpu.memory_space<hbm>> -> memref<512xi32, #tpu.memory_space<hbm>>
    %dma_wait3A_479 = arith.constant 10752 : i32
    %dma_wait3A_480 = tpu.memref_slice %arg5[%dma_wait3A_479] : memref<13312xi32, #tpu.memory_space<vmem>> -> memref<512xi32, #tpu.memory_space<vmem>>
    %dma_wait3A_481 = tpu.memref_slice %arg3[%dma_wait3A_474, %mul3A_232] : memref<26x16384xi32, #tpu.memory_space<hbm>> -> memref<1x512xi32, #tpu.memory_space<hbm>>
    %dma_wait3A_482 = tpu.memref_squeeze %dma_wait3A_481 : memref<1x512xi32, #tpu.memory_space<hbm>> -> memref<512xi32, #tpu.memory_space<hbm>>
    tpu.wait_dma2 semaphore(%arg8 : memref<!tpu.dma_semaphore, #tpu.memory_space<semaphore_mem>>) src(%dma_wait3A_482 : memref<512xi32, #tpu.memory_space<hbm>>) dst(%dma_wait3A_480 : memref<512xi32, #tpu.memory_space<vmem>>)
    %dma_wait3A_483 = arith.constant 22 : i32
    %dma_wait3A_484 = arith.constant 11264 : i32
    %dma_wait3A_485 = tpu.memref_slice %arg5[%dma_wait3A_484] : memref<13312xi32, #tpu.memory_space<vmem>> -> memref<512xi32, #tpu.memory_space<vmem>>
    %dma_wait3A_486 = tpu.memref_slice %arg3[%dma_wait3A_483, %mul3A_243] : memref<26x16384xi32, #tpu.memory_space<hbm>> -> memref<1x512xi32, #tpu.memory_space<hbm>>
    %dma_wait3A_487 = tpu.memref_squeeze %dma_wait3A_486 : memref<1x512xi32, #tpu.memory_space<hbm>> -> memref<512xi32, #tpu.memory_space<hbm>>
    %dma_wait3A_488 = arith.constant 11264 : i32
    %dma_wait3A_489 = tpu.memref_slice %arg5[%dma_wait3A_488] : memref<13312xi32, #tpu.memory_space<vmem>> -> memref<512xi32, #tpu.memory_space<vmem>>
    %dma_wait3A_490 = tpu.memref_slice %arg3[%dma_wait3A_483, %mul3A_243] : memref<26x16384xi32, #tpu.memory_space<hbm>> -> memref<1x512xi32, #tpu.memory_space<hbm>>
    %dma_wait3A_491 = tpu.memref_squeeze %dma_wait3A_490 : memref<1x512xi32, #tpu.memory_space<hbm>> -> memref<512xi32, #tpu.memory_space<hbm>>
    tpu.wait_dma2 semaphore(%arg8 : memref<!tpu.dma_semaphore, #tpu.memory_space<semaphore_mem>>) src(%dma_wait3A_491 : memref<512xi32, #tpu.memory_space<hbm>>) dst(%dma_wait3A_489 : memref<512xi32, #tpu.memory_space<vmem>>)
    %dma_wait3A_492 = arith.constant 23 : i32
    %dma_wait3A_493 = arith.constant 11776 : i32
    %dma_wait3A_494 = tpu.memref_slice %arg5[%dma_wait3A_493] : memref<13312xi32, #tpu.memory_space<vmem>> -> memref<512xi32, #tpu.memory_space<vmem>>
    %dma_wait3A_495 = tpu.memref_slice %arg3[%dma_wait3A_492, %mul3A_254] : memref<26x16384xi32, #tpu.memory_space<hbm>> -> memref<1x512xi32, #tpu.memory_space<hbm>>
    %dma_wait3A_496 = tpu.memref_squeeze %dma_wait3A_495 : memref<1x512xi32, #tpu.memory_space<hbm>> -> memref<512xi32, #tpu.memory_space<hbm>>
    %dma_wait3A_497 = arith.constant 11776 : i32
    %dma_wait3A_498 = tpu.memref_slice %arg5[%dma_wait3A_497] : memref<13312xi32, #tpu.memory_space<vmem>> -> memref<512xi32, #tpu.memory_space<vmem>>
    %dma_wait3A_499 = tpu.memref_slice %arg3[%dma_wait3A_492, %mul3A_254] : memref<26x16384xi32, #tpu.memory_space<hbm>> -> memref<1x512xi32, #tpu.memory_space<hbm>>
    %dma_wait3A_500 = tpu.memref_squeeze %dma_wait3A_499 : memref<1x512xi32, #tpu.memory_space<hbm>> -> memref<512xi32, #tpu.memory_space<hbm>>
    tpu.wait_dma2 semaphore(%arg8 : memref<!tpu.dma_semaphore, #tpu.memory_space<semaphore_mem>>) src(%dma_wait3A_500 : memref<512xi32, #tpu.memory_space<hbm>>) dst(%dma_wait3A_498 : memref<512xi32, #tpu.memory_space<vmem>>)
    %dma_wait3A_501 = arith.constant 24 : i32
    %dma_wait3A_502 = arith.constant 12288 : i32
    %dma_wait3A_503 = tpu.memref_slice %arg5[%dma_wait3A_502] : memref<13312xi32, #tpu.memory_space<vmem>> -> memref<512xi32, #tpu.memory_space<vmem>>
    %dma_wait3A_504 = tpu.memref_slice %arg3[%dma_wait3A_501, %mul3A_265] : memref<26x16384xi32, #tpu.memory_space<hbm>> -> memref<1x512xi32, #tpu.memory_space<hbm>>
    %dma_wait3A_505 = tpu.memref_squeeze %dma_wait3A_504 : memref<1x512xi32, #tpu.memory_space<hbm>> -> memref<512xi32, #tpu.memory_space<hbm>>
    %dma_wait3A_506 = arith.constant 12288 : i32
    %dma_wait3A_507 = tpu.memref_slice %arg5[%dma_wait3A_506] : memref<13312xi32, #tpu.memory_space<vmem>> -> memref<512xi32, #tpu.memory_space<vmem>>
    %dma_wait3A_508 = tpu.memref_slice %arg3[%dma_wait3A_501, %mul3A_265] : memref<26x16384xi32, #tpu.memory_space<hbm>> -> memref<1x512xi32, #tpu.memory_space<hbm>>
    %dma_wait3A_509 = tpu.memref_squeeze %dma_wait3A_508 : memref<1x512xi32, #tpu.memory_space<hbm>> -> memref<512xi32, #tpu.memory_space<hbm>>
    tpu.wait_dma2 semaphore(%arg8 : memref<!tpu.dma_semaphore, #tpu.memory_space<semaphore_mem>>) src(%dma_wait3A_509 : memref<512xi32, #tpu.memory_space<hbm>>) dst(%dma_wait3A_507 : memref<512xi32, #tpu.memory_space<vmem>>)
    %dma_wait3A_510 = arith.constant 25 : i32
    %dma_wait3A_511 = arith.constant 12800 : i32
    %dma_wait3A_512 = tpu.memref_slice %arg5[%dma_wait3A_511] : memref<13312xi32, #tpu.memory_space<vmem>> -> memref<512xi32, #tpu.memory_space<vmem>>
    %dma_wait3A_513 = tpu.memref_slice %arg3[%dma_wait3A_510, %mul3A_276] : memref<26x16384xi32, #tpu.memory_space<hbm>> -> memref<1x512xi32, #tpu.memory_space<hbm>>
    %dma_wait3A_514 = tpu.memref_squeeze %dma_wait3A_513 : memref<1x512xi32, #tpu.memory_space<hbm>> -> memref<512xi32, #tpu.memory_space<hbm>>
    %dma_wait3A_515 = arith.constant 12800 : i32
    %dma_wait3A_516 = tpu.memref_slice %arg5[%dma_wait3A_515] : memref<13312xi32, #tpu.memory_space<vmem>> -> memref<512xi32, #tpu.memory_space<vmem>>
    %dma_wait3A_517 = tpu.memref_slice %arg3[%dma_wait3A_510, %mul3A_276] : memref<26x16384xi32, #tpu.memory_space<hbm>> -> memref<1x512xi32, #tpu.memory_space<hbm>>
    %dma_wait3A_518 = tpu.memref_squeeze %dma_wait3A_517 : memref<1x512xi32, #tpu.memory_space<hbm>> -> memref<512xi32, #tpu.memory_space<hbm>>
    tpu.wait_dma2 semaphore(%arg8 : memref<!tpu.dma_semaphore, #tpu.memory_space<semaphore_mem>>) src(%dma_wait3A_518 : memref<512xi32, #tpu.memory_space<hbm>>) dst(%dma_wait3A_516 : memref<512xi32, #tpu.memory_space<vmem>>)
    "tpu.region"() ({
      %run_scoped3A = tpu.sem_alloc : memref<!tpu.dma_semaphore, #tpu.memory_space<semaphore_mem>>
      %dma_start3A_525 = arith.constant 0 : i32
      %dma_start3A_526 = tpu.memref_slice %arg2[%dma_start3A_525] : memref<1000000xf32, #tpu.memory_space<hbm>> -> memref<1000000xf32, #tpu.memory_space<hbm>>
      tpu.enqueue_indirect_dma source(%dma_start3A_526 : memref<1000000xf32, #tpu.memory_space<hbm>>) target(%arg6 : memref<13312xf32, #tpu.memory_space<vmem>>) offsets(%arg5 : memref<13312xi32, #tpu.memory_space<vmem>>) semaphore(%run_scoped3A : memref<!tpu.dma_semaphore, #tpu.memory_space<semaphore_mem>>)
      %dma_wait3A_527 = arith.constant 0 : i32
      %dma_wait3A_528 = tpu.memref_slice %arg2[%dma_wait3A_527] : memref<1000000xf32, #tpu.memory_space<hbm>> -> memref<1000000xf32, #tpu.memory_space<hbm>>
      tpu.wait_indirect_dma semaphore(%run_scoped3A : memref<!tpu.dma_semaphore, #tpu.memory_space<semaphore_mem>>) src(%dma_wait3A_528 : memref<1000000xf32, #tpu.memory_space<hbm>>) dst(%arg6 : memref<13312xf32, #tpu.memory_space<vmem>>)
      tpu.yield
    }) : () -> ()
    %scan3A = arith.constant 0 : i32
    %scan3A_519 = arith.constant 32 : i32
    %scan3A_520 = arith.addi %scan3A, %scan3A_519 : i32
    %scan3A_521 = arith.constant 1 : i32
    scf.for %scan3A_525 = %scan3A to %scan3A_520 step %scan3A_521  : i32 {
      %broadcast_in_dim3A = arith.constant 0.000000e+00 : f32
      %broadcast_in_dim3A_526 = vector.broadcast %broadcast_in_dim3A : f32 to vector<16xf32>
      %mul3A_527 = arith.constant 16 : i32
      %mul3A_528 = arith.muli %scan3A_525, %mul3A_527 : i32
      %add3A_529 = arith.constant 0 : i32
      %add3A_530 = arith.addi %add3A_529, %mul3A_528 : i32
      %get3A = arith.index_cast %add3A_530 : i32 to index
      %get3A_531 = tpu.vector_load %arg6[%get3A] {strides = array<i32>} : memref<13312xf32, #tpu.memory_space<vmem>>, vector<16xf32>,
      %add3A_532 = arith.addf %broadcast_in_dim3A_526, %get3A_531 : vector<16xf32>
      %mul3A_533 = arith.constant 16 : i32
      %mul3A_534 = arith.muli %scan3A_525, %mul3A_533 : i32
      %add3A_535 = arith.constant 512 : i32
      %add3A_536 = arith.addi %add3A_535, %mul3A_534 : i32
      %get3A_537 = arith.index_cast %add3A_536 : i32 to index
      %get3A_538 = tpu.vector_load %arg6[%get3A_537] {strides = array<i32>} : memref<13312xf32, #tpu.memory_space<vmem>>, vector<16xf32>,
      %add3A_539 = arith.addf %add3A_532, %get3A_538 : vector<16xf32>
      %mul3A_540 = arith.constant 16 : i32
      %mul3A_541 = arith.muli %scan3A_525, %mul3A_540 : i32
      %add3A_542 = arith.constant 1024 : i32
      %add3A_543 = arith.addi %add3A_542, %mul3A_541 : i32
      %get3A_544 = arith.index_cast %add3A_543 : i32 to index
      %get3A_545 = tpu.vector_load %arg6[%get3A_544] {strides = array<i32>} : memref<13312xf32, #tpu.memory_space<vmem>>, vector<16xf32>,
      %add3A_546 = arith.addf %add3A_539, %get3A_545 : vector<16xf32>
      %mul3A_547 = arith.constant 16 : i32
      %mul3A_548 = arith.muli %scan3A_525, %mul3A_547 : i32
      %add3A_549 = arith.constant 1536 : i32
      %add3A_550 = arith.addi %add3A_549, %mul3A_548 : i32
      %get3A_551 = arith.index_cast %add3A_550 : i32 to index
      %get3A_552 = tpu.vector_load %arg6[%get3A_551] {strides = array<i32>} : memref<13312xf32, #tpu.memory_space<vmem>>, vector<16xf32>,
      %add3A_553 = arith.addf %add3A_546, %get3A_552 : vector<16xf32>
      %mul3A_554 = arith.constant 16 : i32
      %mul3A_555 = arith.muli %scan3A_525, %mul3A_554 : i32
      %add3A_556 = arith.constant 2048 : i32
      %add3A_557 = arith.addi %add3A_556, %mul3A_555 : i32
      %get3A_558 = arith.index_cast %add3A_557 : i32 to index
      %get3A_559 = tpu.vector_load %arg6[%get3A_558] {strides = array<i32>} : memref<13312xf32, #tpu.memory_space<vmem>>, vector<16xf32>,
      %add3A_560 = arith.addf %add3A_553, %get3A_559 : vector<16xf32>
      %mul3A_561 = arith.constant 16 : i32
      %mul3A_562 = arith.muli %scan3A_525, %mul3A_561 : i32
      %add3A_563 = arith.constant 2560 : i32
      %add3A_564 = arith.addi %add3A_563, %mul3A_562 : i32
      %get3A_565 = arith.index_cast %add3A_564 : i32 to index
      %get3A_566 = tpu.vector_load %arg6[%get3A_565] {strides = array<i32>} : memref<13312xf32, #tpu.memory_space<vmem>>, vector<16xf32>,
      %add3A_567 = arith.addf %add3A_560, %get3A_566 : vector<16xf32>
      %mul3A_568 = arith.constant 16 : i32
      %mul3A_569 = arith.muli %scan3A_525, %mul3A_568 : i32
      %add3A_570 = arith.constant 3072 : i32
      %add3A_571 = arith.addi %add3A_570, %mul3A_569 : i32
      %get3A_572 = arith.index_cast %add3A_571 : i32 to index
      %get3A_573 = tpu.vector_load %arg6[%get3A_572] {strides = array<i32>} : memref<13312xf32, #tpu.memory_space<vmem>>, vector<16xf32>,
      %add3A_574 = arith.addf %add3A_567, %get3A_573 : vector<16xf32>
      %mul3A_575 = arith.constant 16 : i32
      %mul3A_576 = arith.muli %scan3A_525, %mul3A_575 : i32
      %add3A_577 = arith.constant 3584 : i32
      %add3A_578 = arith.addi %add3A_577, %mul3A_576 : i32
      %get3A_579 = arith.index_cast %add3A_578 : i32 to index
      %get3A_580 = tpu.vector_load %arg6[%get3A_579] {strides = array<i32>} : memref<13312xf32, #tpu.memory_space<vmem>>, vector<16xf32>,
      %add3A_581 = arith.addf %add3A_574, %get3A_580 : vector<16xf32>
      %mul3A_582 = arith.constant 16 : i32
      %mul3A_583 = arith.muli %scan3A_525, %mul3A_582 : i32
      %add3A_584 = arith.constant 4096 : i32
      %add3A_585 = arith.addi %add3A_584, %mul3A_583 : i32
      %get3A_586 = arith.index_cast %add3A_585 : i32 to index
      %get3A_587 = tpu.vector_load %arg6[%get3A_586] {strides = array<i32>} : memref<13312xf32, #tpu.memory_space<vmem>>, vector<16xf32>,
      %add3A_588 = arith.addf %add3A_581, %get3A_587 : vector<16xf32>
      %mul3A_589 = arith.constant 16 : i32
      %mul3A_590 = arith.muli %scan3A_525, %mul3A_589 : i32
      %add3A_591 = arith.constant 4608 : i32
      %add3A_592 = arith.addi %add3A_591, %mul3A_590 : i32
      %get3A_593 = arith.index_cast %add3A_592 : i32 to index
      %get3A_594 = tpu.vector_load %arg6[%get3A_593] {strides = array<i32>} : memref<13312xf32, #tpu.memory_space<vmem>>, vector<16xf32>,
      %add3A_595 = arith.addf %add3A_588, %get3A_594 : vector<16xf32>
      %mul3A_596 = arith.constant 16 : i32
      %mul3A_597 = arith.muli %scan3A_525, %mul3A_596 : i32
      %add3A_598 = arith.constant 5120 : i32
      %add3A_599 = arith.addi %add3A_598, %mul3A_597 : i32
      %get3A_600 = arith.index_cast %add3A_599 : i32 to index
      %get3A_601 = tpu.vector_load %arg6[%get3A_600] {strides = array<i32>} : memref<13312xf32, #tpu.memory_space<vmem>>, vector<16xf32>,
      %add3A_602 = arith.addf %add3A_595, %get3A_601 : vector<16xf32>
      %mul3A_603 = arith.constant 16 : i32
      %mul3A_604 = arith.muli %scan3A_525, %mul3A_603 : i32
      %add3A_605 = arith.constant 5632 : i32
      %add3A_606 = arith.addi %add3A_605, %mul3A_604 : i32
      %get3A_607 = arith.index_cast %add3A_606 : i32 to index
      %get3A_608 = tpu.vector_load %arg6[%get3A_607] {strides = array<i32>} : memref<13312xf32, #tpu.memory_space<vmem>>, vector<16xf32>,
      %add3A_609 = arith.addf %add3A_602, %get3A_608 : vector<16xf32>
      %mul3A_610 = arith.constant 16 : i32
      %mul3A_611 = arith.muli %scan3A_525, %mul3A_610 : i32
      %add3A_612 = arith.constant 6144 : i32
      %add3A_613 = arith.addi %add3A_612, %mul3A_611 : i32
      %get3A_614 = arith.index_cast %add3A_613 : i32 to index
      %get3A_615 = tpu.vector_load %arg6[%get3A_614] {strides = array<i32>} : memref<13312xf32, #tpu.memory_space<vmem>>, vector<16xf32>,
      %add3A_616 = arith.addf %add3A_609, %get3A_615 : vector<16xf32>
      %mul3A_617 = arith.constant 16 : i32
      %mul3A_618 = arith.muli %scan3A_525, %mul3A_617 : i32
      %add3A_619 = arith.constant 6656 : i32
      %add3A_620 = arith.addi %add3A_619, %mul3A_618 : i32
      %get3A_621 = arith.index_cast %add3A_620 : i32 to index
      %get3A_622 = tpu.vector_load %arg6[%get3A_621] {strides = array<i32>} : memref<13312xf32, #tpu.memory_space<vmem>>, vector<16xf32>,
      %add3A_623 = arith.addf %add3A_616, %get3A_622 : vector<16xf32>
      %mul3A_624 = arith.constant 16 : i32
      %mul3A_625 = arith.muli %scan3A_525, %mul3A_624 : i32
      %add3A_626 = arith.constant 7168 : i32
      %add3A_627 = arith.addi %add3A_626, %mul3A_625 : i32
      %get3A_628 = arith.index_cast %add3A_627 : i32 to index
      %get3A_629 = tpu.vector_load %arg6[%get3A_628] {strides = array<i32>} : memref<13312xf32, #tpu.memory_space<vmem>>, vector<16xf32>,
      %add3A_630 = arith.addf %add3A_623, %get3A_629 : vector<16xf32>
      %mul3A_631 = arith.constant 16 : i32
      %mul3A_632 = arith.muli %scan3A_525, %mul3A_631 : i32
      %add3A_633 = arith.constant 7680 : i32
      %add3A_634 = arith.addi %add3A_633, %mul3A_632 : i32
      %get3A_635 = arith.index_cast %add3A_634 : i32 to index
      %get3A_636 = tpu.vector_load %arg6[%get3A_635] {strides = array<i32>} : memref<13312xf32, #tpu.memory_space<vmem>>, vector<16xf32>,
      %add3A_637 = arith.addf %add3A_630, %get3A_636 : vector<16xf32>
      %mul3A_638 = arith.constant 16 : i32
      %mul3A_639 = arith.muli %scan3A_525, %mul3A_638 : i32
      %add3A_640 = arith.constant 8192 : i32
      %add3A_641 = arith.addi %add3A_640, %mul3A_639 : i32
      %get3A_642 = arith.index_cast %add3A_641 : i32 to index
      %get3A_643 = tpu.vector_load %arg6[%get3A_642] {strides = array<i32>} : memref<13312xf32, #tpu.memory_space<vmem>>, vector<16xf32>,
      %add3A_644 = arith.addf %add3A_637, %get3A_643 : vector<16xf32>
      %mul3A_645 = arith.constant 16 : i32
      %mul3A_646 = arith.muli %scan3A_525, %mul3A_645 : i32
      %add3A_647 = arith.constant 8704 : i32
      %add3A_648 = arith.addi %add3A_647, %mul3A_646 : i32
      %get3A_649 = arith.index_cast %add3A_648 : i32 to index
      %get3A_650 = tpu.vector_load %arg6[%get3A_649] {strides = array<i32>} : memref<13312xf32, #tpu.memory_space<vmem>>, vector<16xf32>,
      %add3A_651 = arith.addf %add3A_644, %get3A_650 : vector<16xf32>
      %mul3A_652 = arith.constant 16 : i32
      %mul3A_653 = arith.muli %scan3A_525, %mul3A_652 : i32
      %add3A_654 = arith.constant 9216 : i32
      %add3A_655 = arith.addi %add3A_654, %mul3A_653 : i32
      %get3A_656 = arith.index_cast %add3A_655 : i32 to index
      %get3A_657 = tpu.vector_load %arg6[%get3A_656] {strides = array<i32>} : memref<13312xf32, #tpu.memory_space<vmem>>, vector<16xf32>,
      %add3A_658 = arith.addf %add3A_651, %get3A_657 : vector<16xf32>
      %mul3A_659 = arith.constant 16 : i32
      %mul3A_660 = arith.muli %scan3A_525, %mul3A_659 : i32
      %add3A_661 = arith.constant 9728 : i32
      %add3A_662 = arith.addi %add3A_661, %mul3A_660 : i32
      %get3A_663 = arith.index_cast %add3A_662 : i32 to index
      %get3A_664 = tpu.vector_load %arg6[%get3A_663] {strides = array<i32>} : memref<13312xf32, #tpu.memory_space<vmem>>, vector<16xf32>,
      %add3A_665 = arith.addf %add3A_658, %get3A_664 : vector<16xf32>
      %mul3A_666 = arith.constant 16 : i32
      %mul3A_667 = arith.muli %scan3A_525, %mul3A_666 : i32
      %add3A_668 = arith.constant 10240 : i32
      %add3A_669 = arith.addi %add3A_668, %mul3A_667 : i32
      %get3A_670 = arith.index_cast %add3A_669 : i32 to index
      %get3A_671 = tpu.vector_load %arg6[%get3A_670] {strides = array<i32>} : memref<13312xf32, #tpu.memory_space<vmem>>, vector<16xf32>,
      %add3A_672 = arith.addf %add3A_665, %get3A_671 : vector<16xf32>
      %mul3A_673 = arith.constant 16 : i32
      %mul3A_674 = arith.muli %scan3A_525, %mul3A_673 : i32
      %add3A_675 = arith.constant 10752 : i32
      %add3A_676 = arith.addi %add3A_675, %mul3A_674 : i32
      %get3A_677 = arith.index_cast %add3A_676 : i32 to index
      %get3A_678 = tpu.vector_load %arg6[%get3A_677] {strides = array<i32>} : memref<13312xf32, #tpu.memory_space<vmem>>, vector<16xf32>,
      %add3A_679 = arith.addf %add3A_672, %get3A_678 : vector<16xf32>
      %mul3A_680 = arith.constant 16 : i32
      %mul3A_681 = arith.muli %scan3A_525, %mul3A_680 : i32
      %add3A_682 = arith.constant 11264 : i32
      %add3A_683 = arith.addi %add3A_682, %mul3A_681 : i32
      %get3A_684 = arith.index_cast %add3A_683 : i32 to index
      %get3A_685 = tpu.vector_load %arg6[%get3A_684] {strides = array<i32>} : memref<13312xf32, #tpu.memory_space<vmem>>, vector<16xf32>,
      %add3A_686 = arith.addf %add3A_679, %get3A_685 : vector<16xf32>
      %mul3A_687 = arith.constant 16 : i32
      %mul3A_688 = arith.muli %scan3A_525, %mul3A_687 : i32
      %add3A_689 = arith.constant 11776 : i32
      %add3A_690 = arith.addi %add3A_689, %mul3A_688 : i32
      %get3A_691 = arith.index_cast %add3A_690 : i32 to index
      %get3A_692 = tpu.vector_load %arg6[%get3A_691] {strides = array<i32>} : memref<13312xf32, #tpu.memory_space<vmem>>, vector<16xf32>,
      %add3A_693 = arith.addf %add3A_686, %get3A_692 : vector<16xf32>
      %mul3A_694 = arith.constant 16 : i32
      %mul3A_695 = arith.muli %scan3A_525, %mul3A_694 : i32
      %add3A_696 = arith.constant 12288 : i32
      %add3A_697 = arith.addi %add3A_696, %mul3A_695 : i32
      %get3A_698 = arith.index_cast %add3A_697 : i32 to index
      %get3A_699 = tpu.vector_load %arg6[%get3A_698] {strides = array<i32>} : memref<13312xf32, #tpu.memory_space<vmem>>, vector<16xf32>,
      %add3A_700 = arith.addf %add3A_693, %get3A_699 : vector<16xf32>
      %mul3A_701 = arith.constant 16 : i32
      %mul3A_702 = arith.muli %scan3A_525, %mul3A_701 : i32
      %add3A_703 = arith.constant 12800 : i32
      %add3A_704 = arith.addi %add3A_703, %mul3A_702 : i32
      %get3A_705 = arith.index_cast %add3A_704 : i32 to index
      %get3A_706 = tpu.vector_load %arg6[%get3A_705] {strides = array<i32>} : memref<13312xf32, #tpu.memory_space<vmem>>, vector<16xf32>,
      %add3A_707 = arith.addf %add3A_700, %get3A_706 : vector<16xf32>
      %neg3A = arith.constant 0.000000e+00 : f32
      %neg3A_708 = vector.broadcast %neg3A : f32 to vector<16xf32>
      %neg3A_709 = arith.subf %neg3A_708, %add3A_707 : vector<16xf32>
      %exp3A = math.exp %neg3A_709 : vector<16xf32>
      %add3A_710 = arith.constant 1.000000e+00 : f32
      %add3A_711 = vector.broadcast %add3A_710 : f32 to vector<16xf32>
      %add3A_712 = arith.addf %add3A_711, %exp3A : vector<16xf32>
      %div3A = arith.constant 1.000000e+00 : f32
      %div3A_713 = vector.broadcast %div3A : f32 to vector<16xf32>
      %div3A_714 = arith.divf %div3A_713, %add3A_712 : vector<16xf32>
      %mul3A_715 = arith.constant 16 : i32
      %mul3A_716 = arith.muli %scan3A_525, %mul3A_715 : i32
      %swap3A = arith.index_cast %mul3A_716 : i32 to index
      %swap3A_717 = tpu.vector_load %arg7[%swap3A] {strides = array<i32>} : memref<512xf32, #tpu.memory_space<vmem>>, vector<16xf32>,
      tpu.vector_store %arg7[%swap3A], %div3A_714 {strides = array<i32>} : memref<512xf32, #tpu.memory_space<vmem>>, vector<16xf32>,
    }
    %scan3A_522 = arith.constant 32 : i32
    %mul3A_523 = arith.constant 512 : i32
    %mul3A_524 = arith.muli %add3A, %mul3A_523 : i32
    "tpu.region"() ({
      %run_scoped3A = tpu.sem_alloc : memref<!tpu.dma_semaphore, #tpu.memory_space<semaphore_mem>>
      %dma_start3A_525 = tpu.memref_slice %arg4[%mul3A_524] : memref<16384xf32, #tpu.memory_space<hbm>> -> memref<512xf32, #tpu.memory_space<hbm>>
      %dma_start3A_526 = tpu.memref_slice %arg4[%mul3A_524] : memref<16384xf32, #tpu.memory_space<hbm>> -> memref<512xf32, #tpu.memory_space<hbm>>
      tpu.enqueue_dma source(%arg7 : memref<512xf32, #tpu.memory_space<vmem>>) target(%dma_start3A_526 : memref<512xf32, #tpu.memory_space<hbm>>) target_semaphore(%run_scoped3A : memref<!tpu.dma_semaphore, #tpu.memory_space<semaphore_mem>>)
      %dma_wait3A_527 = tpu.memref_slice %arg4[%mul3A_524] : memref<16384xf32, #tpu.memory_space<hbm>> -> memref<512xf32, #tpu.memory_space<hbm>>
      %dma_wait3A_528 = tpu.memref_slice %arg4[%mul3A_524] : memref<16384xf32, #tpu.memory_space<hbm>> -> memref<512xf32, #tpu.memory_space<hbm>>
      tpu.wait_dma2 semaphore(%run_scoped3A : memref<!tpu.dma_semaphore, #tpu.memory_space<semaphore_mem>>) src(%arg7 : memref<512xf32, #tpu.memory_space<vmem>>) dst(%dma_wait3A_528 : memref<512xf32, #tpu.memory_space<hbm>>)
      tpu.yield
    }) : () -> ()
    return
  }
}

</mosaic_0001>

<sc_bundles>
// kernel: kernel.3.cloned.1.call-start
scs
__scs_entry_jumppad:
0x0: {  	(pc) =	sbr.rel $0x88, $3  }
0x1: {  	(tag) =	ssettag $0x0;
	lr =	simm.s32 $0x1  }
0x2: {  	[smem:$0x3F9F] =	sst lr;
	_ =	strace $0xD0000000  }
0x3: {  	_ = 	snop  }
0x4: {  	_ = 	snop  }
0x5: {  	_ = 	snop  }
0x6: {  	_ = 	snop  }
0x7: {  	_ = 	snop  }
__scs_overlays_trampoline_lowered:
0x8: {  	[smem:$0x3FAE] =	sst s0  }
0x9: {  	[smem:$0x3FAF] =	sst s1  }
0xa: {  	[smem:$0x3FB0] =	sst s2  }
0xb: {  	[smem:$0x3FB1] =	sst s3  }
0xc: {  	[smem:$0x3FB2] =	sst s4  }
0xd: {  	[smem:$0x3FB3] =	sst s5  }
0xe: {  	[smem:$0x3FB4] =	sst s6  }
0xf: {  	[smem:$0x3FB5] =	sst s7  }
0x10: {  	[smem:$0x3FB6] =	sst s8  }
0x11: {  	[smem:$0x3FB7] =	sst s9;
	s0 =	simm.s32 @!p0 $0x0  }
0x12: {  	s1 =	sld [smem:$0x3F9D];
	s0 =	simm.s32 @p0 $0x1  }
0x13: {  	[smem:$0x3FB8] =	sst s0;
	s0 =	simm.s32 @!p1 $0x0  }
0x14: {  	s2 =	sld [smem:$0x3F9C];
	s0 =	simm.s32 @p1 $0x1  }
0x15: {  	[smem:$0x3FB9] =	sst s0;
	s0 =	simm.s32 @!p2 $0x0  }
0x16: {  	s3 =	sld [smem:$0x3FDB];
	s0 =	simm.s32 @p2 $0x1  }
0x17: {  	s4 =	simm.s32 $0x1BF5;
	[smem:$0x3FBB] =	sst s0  }
0x18: {  	s0 =	sld [smem:$0x3F9E];
	_ =	swait.ge [sflag:s4], $0x0  }
0x19: {  	s7 =	sld [smem:$0x3F9F]  }
0x1a: {  	s8 =	sadd.s32 $0xFFFFE003, lr  }
0x1b: {  	s9 =	sadd.s32 $0xFFFFFEF7, lr;
	s5 =	simm.s32 $0xFFFFFFFF;
	p2 =	slt.u32 s8, $0xFFFFF086  }
0x1c: {  	p1 =	slt.u32 s9, $0xF7A;
	s5 =	simm.s32 @!p2 $0x0  }
0x1d: {  	s5 =	simm.s32 @p1 $0x1;
	p0 =	seq.s32 s7, s2  }
0x1e: {  	s7 =	smul.u32 @!p0 $0xF7A, s2;
	p2 =	seq.s32 @!p0 s5, $0x0  }
0x1f: {  	s9 =	smul.u32 $0xF7A, s1;
	s8 =	simm.s32 @!p0 $0x1BF5;
	p2 =	por !p2, p0  }
0x20: {  	[sflag:s8] =	ssyncset.s32 @!p0 $0xFFFFF086;
	s6 =	sadd.s32 @!p0 s3, s7;
	s7 =	simm.s32 @!p0 $0x108  }
0x21: {  	s3 =	sadd.s32 s3, s9;
	s6 =	sadd.s32 @!p0 $0x88, s6;
	s7 =	simm.s32 @p2 $0x1082  }
0x22: {  	[simem:s7], [sflag:s8] =	dma.local @!p0 [hbm:s6], $0xF7A  }
0x23: {  	s9 =	sor.u32 $0xD0000000, s2;
	s6 =	simm.s32 $0x108;
	_ =	swait.ge @!p0 [sflag:s8], $0x0  }
0x24: {  	s3 =	sadd.s32 $0x88, s3;
	s6 =	simm.s32 @!p1 $0x1082;
	[sflag:s4] =	ssyncset.s32 $0xFFFFF086  }
0x25: {  	[simem:s6], [sflag:s4] =	dma.local [hbm:s3], $0xF7A  }
0x26: {  	[smem:$0x3F9F] =	sst s1;
	(tag) =	ssettag s2;
	_ =	strace s9  }
0x27: {  	s1 =	sld [smem:$0x3FAF]  }
0x28: {  	s2 =	sld [smem:$0x3FB0]  }
0x29: {  	s4 =	sld [smem:$0x3FB2]  }
0x2a: {  	p0 =	seq.s32 s5, $0x0;
	s5 =	sld [smem:$0x3FB3]  }
0x2b: {  	s6 =	sld [smem:$0x3FB4]  }
0x2c: {  	s7 =	sld [smem:$0x3FB5]  }
0x2d: {  	s3 =	simm.s32 $0x108;
	s8 =	sld [smem:$0x3FB6]  }
0x2e: {  	s3 =	simm.s32 @!p0 $0x1082;
	s9 =	sld [smem:$0x3FB7]  }
0x2f: {  	lr =	sadd.s32 s0, s3;
	s0 =	sld [smem:$0x3FAE]  }
0x30: {  	s3 =	sld [smem:$0x3FB1]  }
0x31: {  	[smem:$0x3FBA] =	sst s10  }
0x32: {  	s10 =	sld [smem:$0x3FB8];
	_ =	sdelay $0x3  }
0x33: {  	p0 =	seq.s32 s10, $0x1;
	s10 =	sld [smem:$0x3FBA];
	_ =	sdelay $0x3  }
0x34: {  	[smem:$0x3FBA] =	sst s10  }
0x35: {  	s10 =	sld [smem:$0x3FB9];
	_ =	sdelay $0x3  }
0x36: {  	p1 =	seq.s32 s10, $0x1;
	s10 =	sld [smem:$0x3FBA];
	_ =	sdelay $0x3  }
0x37: {  	[smem:$0x3FBA] =	sst s10  }
0x38: {  	s10 =	sld [smem:$0x3FBB]  }
0x39: {  	_ = 	snop;
	(pc) =	sbr.ind lr, $3  }
0x3a: {  	_ = 	snop  }
0x3b: {  	_ = 	snop  }
0x3c: {  	p2 =	seq.s32 s10, $0x1;
	s10 =	sld [smem:$0x3FBA]  }
0x3d: {  	_ =	shalt  }
0x3e: {  	_ =	shalt  }
0x3f: {  	_ =	shalt  }
0x40: {  	_ =	shalt  }
0x41: {  	_ =	shalt  }
0x42: {  	_ =	shalt  }
0x43: {  	_ =	shalt  }
0x44: {  	_ =	shalt  }
0x45: {  	_ =	shalt  }
0x46: {  	_ =	shalt  }
0x47: {  	_ =	shalt  }
0x48: {  	_ =	shalt  }
0x49: {  	_ =	shalt  }
0x4a: {  	_ =	shalt  }
0x4b: {  	_ =	shalt  }
0x4c: {  	_ =	shalt  }
0x4d: {  	_ =	shalt  }
0x4e: {  	_ =	shalt  }
0x4f: {  	_ =	shalt  }
0x50: {  	_ =	shalt  }
0x51: {  	_ =	shalt  }
0x52: {  	_ =	shalt  }
0x53: {  	_ =	shalt  }
0x54: {  	_ =	shalt  }
0x55: {  	_ =	shalt  }
0x56: {  	_ =	shalt  }
0x57: {  	_ =	shalt  }
0x58: {  	_ =	shalt  }
0x59: {  	_ =	shalt  }
0x5a: {  	_ =	shalt  }
0x5b: {  	_ =	shalt  }
0x5c: {  	_ =	shalt  }
0x5d: {  	_ =	shalt  }
0x5e: {  	_ =	shalt  }
0x5f: {  	_ =	shalt  }
0x60: {  	_ =	shalt  }
0x61: {  	_ =	shalt  }
0x62: {  	_ =	shalt  }
0x63: {  	_ =	shalt  }
0x64: {  	_ =	shalt  }
0x65: {  	_ =	shalt  }
0x66: {  	_ =	shalt  }
0x67: {  	_ =	shalt  }
0x68: {  	_ =	shalt  }
0x69: {  	_ =	shalt  }
0x6a: {  	_ =	shalt  }
0x6b: {  	_ =	shalt  }
0x6c: {  	_ =	shalt  }
0x6d: {  	_ =	shalt  }
0x6e: {  	_ =	shalt  }
0x6f: {  	_ =	shalt  }
0x70: {  	_ =	shalt  }
0x71: {  	_ =	shalt  }
0x72: {  	_ =	shalt  }
0x73: {  	_ =	shalt  }
0x74: {  	_ =	shalt  }
0x75: {  	_ =	shalt  }
0x76: {  	_ =	shalt  }
0x77: {  	_ =	shalt  }
0x78: {  	_ =	shalt  }
0x79: {  	_ =	shalt  }
0x7a: {  	_ =	shalt  }
0x7b: {  	_ =	shalt  }
0x7c: {  	_ =	shalt  }
0x7d: {  	_ =	shalt  }
0x7e: {  	_ =	shalt  }
0x7f: {  	_ =	shalt  }
0x80: {  	_ =	shalt  }
0x81: {  	_ =	shalt  }
0x82: {  	_ =	shalt  }
0x83: {  	_ =	shalt  }
0x84: {  	_ =	shalt  }
0x85: {  	_ =	shalt  }
0x86: {  	_ =	shalt  }
0x87: {  	_ =	shalt  }
.Lfunc_end0:
.L_simem_size_0:
called_computation_lowered:
.L_overlay_start_0:
0x88: {  	s2 =	sld [smem:$0x3FD9]  }
0x89: {  	s3 =	sld [smem:$0x3FFE];
	_ =	sdelay $0x1  }
0x8a: {  	s1 =	srdreg.scid  }
0x8b: {  	s0 =	sand.u32 $0x1, s1  }
0x8c: {  	s17 =	sshll.u32 s0, $0xA;
	s2 =	sadd.s32 s3, s2  }
0x8d: {  	s2 =	sadd.s32 s2, s17  }
0x8e: {  	[smem:$0x3FC6] =	sst s2  }
0x8f: {  	_ = 	snop  }
0x90: {  	s2 =	sld [smem:$0x3FC9]  }
0x91: {  	s18 =	sld [smem:$0x3FD0];
	(tm) =	ssettm $0x1  }
0x92: {  	s4 =	sld [smem:$0x3FFB];
	_ =	sdelay $0x3  }
0x93: {  	_ =	strace s4  }
0x94: {  	s4 =	sld [smem:$0x3FFC];
	_ =	sdelay $0x3  }
0x95: {  	_ =	strace s4  }
0x96: {  	s4 =	sld [smem:$0x3FFD];
	_ =	sdelay $0x3  }
0x97: {  	_ =	strace s4  }
0x98: {  	_ =	strace $0x8FFFFFFF  }
0x99: {  	s19 =	sld [smem:$0x3FDB];
	_ =	sdelay $0x1  }
0x9a: {  	s5 =	simm.s32 $_scs_section_size  }
0x9b: {  	s6 =	simm.s32 $_size__tile_overlayer_lowered;
	s7 =	simm.s32 $_tile_overlayer_lowered  }
0x9c: {  	s22 =	simm.s32 $0x1BFF;
	s21 =	sshll.u32 s7, $0x1;
	s4 =	sadd.s32 s5, s19  }
0x9d: {  	s8 =	simm.s32 $0x0;
	s20 =	sshll.u32 s6, $0x1;
	s6 =	sadd.s32 s21, s4  }
0x9e: {  	[timem:s8], [sflag:s22] =	dma.local [hbm:s6], s20  }
0x9f: {  	_ =	swait.ge [sflag:s22], s20  }
0xa0: {  	s5 =	ssub.s32 $0x0, s20;
	[sflag:s22] =	ssyncset.done $0x0  }
0xa1: {  	[sflag:s22] =	ssyncadd.s32 s5;
	_ =	sdelay $0x1  }
0xa2: {  	s23 =	simm.s32 $0x1B8B  }
0xa3: {  	_ =	swait.ge [sflag:s23], $0x1  }
0xa4: {  	[sflag:s23] =	ssyncset.done $0x0  }
0xa5: {  	s25 =	simm.s32 $0x1B8E;
	s24 =	sld [smem:$0x3FFE];
	[sflag:s23] =	ssyncadd.s32 $0xFFFFFFFF  }
0xa6: {  	s26 =	simm.s32 $execute0_lowered;
	[smem:$0x3FD2] =	sst s25  }
0xa7: {  	s6 =	sshll.u32 s26, $0x1;
	_ =	strace $0x80000046;
	[dreg:$0x1] =	wrdreg $0xFFFFFFFF  }
0xa8: {  	s28 =	simm.s32 $_size_execute0_lowered;
	s4 =	sadd.s32 s4, s6;
	[dreg:$0x0] =	wrdreg $0x0  }
0xa9: {  	s6 =	sshll.u32 s28, $0x1;
	[dreg:$0x2] =	wrdreg s4  }
0xaa: {  	[dreg:$0x3] =	wrdreg s6  }
0xab: {  	[dreg:$0x4] =	wrdreg $0xC0  }
0xac: {  	_ =	task [dreg:s8], $0x5FFFF  }
0xad: {  	[dreg:$0x1] =	wrdreg $0xFFFFFFFF  }
0xae: {  	[dreg:$0x0] =	wrdreg $0x60  }
0xaf: {  	[dreg:$0x2] =	wrdreg s24  }
0xb0: {  	[dreg:$0x3] =	wrdreg s2  }
0xb1: {  	[dreg:$0x4] =	wrdreg s18  }
0xb2: {  	[dreg:$0x5] =	wrdreg $0x9  }
0xb3: {  	_ =	task.clear_ibuf [dreg:s8], $0x6FFFF;
	_ =	strace $0x90000046  }
0xb4: {  	s29 =	simm.s32 $0x9;
	_ =	strace $0x80000048  }
0xb5: {  	_ =	swait.ge [sflag:s29], $0x1  }
0xb6: {  	[sflag:s29] =	ssyncadd.s32 $0xFFFFFFFF  }
0xb7: {  	_ =	strace $0x90000048  }
0xb8: {  	_ =	sfence  }
0xb9: {  	s30 =	sld [smem:$0x0];
	_ =	sdelay $0x2  }
0xba: {  	s31 =	sshll.u32 s1, $0xD;
	s1 =	sshrl.u32 s1, $0x2  }
0xbb: {  	s3 =	sand.u32 $0x4000, s31;
	s1 =	sadd.s32 s1, s30  }
0xbc: {  	s0 =	sor.u32 s3, s0;
	s1 =	sshll.u32 s1, $0x11  }
0xbd: {  	s0 =	sor.u32 s1, s0  }
0xbe: {  	s0 =	sadd.s32 $0x8F2B, s0  }
0xbf: {  	[sflag:s0] =	ssyncadd.remote.s32 $0x1  }
0xc0: {  	_ =	sfence.sel $0xFFFF  }
0xc1: {  	[dreg:$0x0] =	wrdreg $0xFFFFFFFF;
	(pc) =	sbr.abs _section_cstart, $3  }
0xc2: {  	[dreg:$0x1] =	wrdreg $0xFFFFFFFF  }
0xc3: {  	_ =	task.clear_ibuf [dreg:s8], $0x2FFFF;
	_ =	strace $0x9FFFFFFF  }
0xc4: {  	(tm) =	ssettm $0x7FFFFFFF  }
0xc5: {  	_ =	shalt  }
tec
execute0_lowered:
.L_overlay_start_1:
0x0: {  	(tag) =	ssettag $0x1  }
0x1: {  	s0 =	rddreg [dreg:$0x1];
	s1 =	srdreg.scid  }
0x2: {  	s2 =	rddreg [dreg:$0x2];
	s3 =	stileid.u32  }
0x3: {  	s7 =	simm.s32 $0x6800;
	s8 =	simm.s32 $0x0;
	s1 =	sand.u32 $0x1, s1  }
0x4: {  	s4 =	sshll.u32 s3, $0xA;
	s3 =	simm.s32 $0x0;
	s5 =	sshll.u32 s1, $0x9  }
0x5: {  	s1 =	ssub.s32 $0x2, s1;
	[smem:$0x7FF] =	sst s3;
	s5 =	sor.u32 s5, s4  }
0x6: {  	s6 =	sshrl.u32 s1, $0x1;
	_ =	strace $0x80000047;
	s4 =	sadd.s32 s0, s5  }
0x7: {  	s13 =	ssub.s32 s1, s6;
	s26 =	sshrl.u32 s5, $0x3;
	s1 =	simm.s32 $0x80  }
0x8: {  	s5 =	simm.s32 $0x1;
	s6 =	simm.s32 $0x2;
	s17 =	sadd.s32 $0x10, s4  }
0x9: {  	s18 =	sadd.s32 $0x20, s4;
	s19 =	sadd.s32 $0x30, s4;
	[dreg:$0x4] =	wrdreg s17  }
0xa: {  	s20 =	sadd.s32 $0x40, s4;
	s21 =	sadd.s32 $0x50, s4;
	[dreg:$0x5] =	wrdreg s18  }
0xb: {  	s22 =	sadd.s32 $0x60, s4;
	s23 =	sadd.s32 $0x70, s4;
	[dreg:$0x6] =	wrdreg s19  }
0xc: {  	s24 =	sadd.s32 $0x4000, s4;
	s25 =	sadd.s32 $0x4010, s4;
	[dreg:$0x7] =	wrdreg s20  }
0xd: {  	s14 =	sadd.s32 $0x4020, s4;
	s15 =	sadd.s32 $0x4030, s4;
	[dreg:$0x8] =	wrdreg s21  }
0xe: {  	s16 =	sadd.s32 $0x4040, s4;
	s28 =	sadd.s32 $0x8050, s4;
	[dreg:$0x9] =	wrdreg s22  }
0xf: {  	s29 =	sadd.s32 $0x8060, s4;
	s30 =	sadd.s32 $0x8070, s4;
	[dreg:$0xa] =	wrdreg s23  }
0x10: {  	s31 =	sadd.s32 $0xC000, s4;
	s0 =	sadd.s32 $0xC010, s4;
	[dreg:$0xb] =	wrdreg s24  }
0x11: {  	[dreg:$0xc] =	wrdreg s25;
	s17 =	sadd.s32 $0x4050, s4;
	s18 =	sadd.s32 $0x4060, s4  }
0x12: {  	s19 =	sadd.s32 $0x4070, s4;
	s20 =	sadd.s32 $0x8000, s4;
	s21 =	sadd.s32 $0x8010, s4  }
0x13: {  	s22 =	sadd.s32 $0x8020, s4;
	s23 =	sadd.s32 s2, s26;
	s24 =	sadd.s32 $0x8030, s4  }
0x14: {  	s25 =	smax.u32 s13, $0x1;
	s26 =	sadd.s32 $0x8040, s4;
	s2 =	simm.s32 $0x400  }
.LBB2_1:
0x15: {  	[tilespmem:s3], [sflag:$0x1] =	stream.strided.gather [hbm4b:s4+s1], $0x200, s2, s1, $0x38;
	[tilespmem:$0x6A00] =	vst v63  }
0x16: {  	s9 =	rddreg [dreg:$0x4];
	s10 =	simm.s32 $0x200  }
0x17: {  	[tilespmem:s10], [sflag:$0x1] =	stream.strided.gather [hbm4b:s9+s1], $0x200, s2, s1, $0x38;
	[tilespmem:$0x6A00] =	vst v63  }
0x18: {  	s11 =	rddreg [dreg:$0x5]  }
0x19: {  	[tilespmem:s2], [sflag:$0x1] =	stream.strided.gather [hbm4b:s11+s1], $0x200, s2, s1, $0x38;
	[tilespmem:$0x6A00] =	vst v63  }
0x1a: {  	s12 =	rddreg [dreg:$0x6];
	s13 =	simm.s32 $0x600  }
0x1b: {  	[tilespmem:s13], [sflag:$0x1] =	stream.strided.gather [hbm4b:s12+s1], $0x200, s2, s1, $0x38;
	[tilespmem:$0x6A00] =	vst v63  }
0x1c: {  	s10 =	rddreg [dreg:$0x7];
	s11 =	simm.s32 $0x800  }
0x1d: {  	[tilespmem:s11], [sflag:$0x1] =	stream.strided.gather [hbm4b:s10+s1], $0x200, s2, s1, $0x38;
	[tilespmem:$0x6A00] =	vst v63  }
0x1e: {  	s12 =	rddreg [dreg:$0x8];
	s13 =	simm.s32 $0xA00  }
0x1f: {  	[tilespmem:s13], [sflag:$0x1] =	stream.strided.gather [hbm4b:s12+s1], $0x200, s2, s1, $0x38;
	[tilespmem:$0x6A00] =	vst v63  }
0x20: {  	s10 =	rddreg [dreg:$0x9];
	s11 =	simm.s32 $0xC00  }
0x21: {  	[tilespmem:s11], [sflag:$0x1] =	stream.strided.gather [hbm4b:s10+s1], $0x200, s2, s1, $0x38;
	[tilespmem:$0x6A00] =	vst v63  }
0x22: {  	s12 =	rddreg [dreg:$0xa];
	s13 =	simm.s32 $0xE00  }
0x23: {  	[tilespmem:s13], [sflag:$0x1] =	stream.strided.gather [hbm4b:s12+s1], $0x200, s2, s1, $0x38;
	[tilespmem:$0x6A00] =	vst v63  }
0x24: {  	s10 =	rddreg [dreg:$0xb];
	s11 =	simm.s32 $0x1000  }
0x25: {  	[tilespmem:s11], [sflag:$0x1] =	stream.strided.gather [hbm4b:s10+s1], $0x200, s2, s1, $0x38;
	[tilespmem:$0x6A00] =	vst v63  }
0x26: {  	s12 =	rddreg [dreg:$0xc];
	s13 =	simm.s32 $0x1200  }
0x27: {  	[tilespmem:s13], [sflag:$0x1] =	stream.strided.gather [hbm4b:s12+s1], $0x200, s2, s1, $0x38;
	[tilespmem:$0x6A00] =	vst v63  }
0x28: {  	s11 =	simm.s32 $0x1400  }
0x29: {  	[tilespmem:s11], [sflag:$0x1] =	stream.strided.gather [hbm4b:s14+s1], $0x200, s2, s1, $0x38;
	[tilespmem:$0x6A00] =	vst v63  }
0x2a: {  	s12 =	simm.s32 $0x1600  }
0x2b: {  	[tilespmem:s12], [sflag:$0x1] =	stream.strided.gather [hbm4b:s15+s1], $0x200, s2, s1, $0x38;
	[tilespmem:$0x6A00] =	vst v63  }
0x2c: {  	s13 =	simm.s32 $0x1800  }
0x2d: {  	[tilespmem:s13], [sflag:$0x1] =	stream.strided.gather [hbm4b:s16+s1], $0x200, s2, s1, $0x38;
	[tilespmem:$0x6A00] =	vst v63  }
0x2e: {  	s10 =	simm.s32 $0x1A00  }
0x2f: {  	[tilespmem:s10], [sflag:$0x1] =	stream.strided.gather [hbm4b:s17+s1], $0x200, s2, s1, $0x38;
	[tilespmem:$0x6A00] =	vst v63  }
0x30: {  	s11 =	simm.s32 $0x1C00  }
0x31: {  	[tilespmem:s11], [sflag:$0x1] =	stream.strided.gather [hbm4b:s18+s1], $0x200, s2, s1, $0x38;
	[tilespmem:$0x6A00] =	vst v63  }
0x32: {  	s12 =	simm.s32 $0x1E00  }
0x33: {  	[tilespmem:s12], [sflag:$0x1] =	stream.strided.gather [hbm4b:s19+s1], $0x200, s2, s1, $0x38;
	[tilespmem:$0x6A00] =	vst v63  }
0x34: {  	s13 =	simm.s32 $0x2000  }
0x35: {  	[tilespmem:s13], [sflag:$0x1] =	stream.strided.gather [hbm4b:s20+s1], $0x200, s2, s1, $0x38;
	[tilespmem:$0x6A00] =	vst v63  }
0x36: {  	s10 =	simm.s32 $0x2200  }
0x37: {  	[tilespmem:s10], [sflag:$0x1] =	stream.strided.gather [hbm4b:s21+s1], $0x200, s2, s1, $0x38;
	[tilespmem:$0x6A00] =	vst v63  }
0x38: {  	s11 =	simm.s32 $0x2400  }
0x39: {  	[tilespmem:s11], [sflag:$0x1] =	stream.strided.gather [hbm4b:s22+s1], $0x200, s2, s1, $0x38;
	[tilespmem:$0x6A00] =	vst v63  }
0x3a: {  	s12 =	simm.s32 $0x2600  }
0x3b: {  	[tilespmem:s12], [sflag:$0x1] =	stream.strided.gather [hbm4b:s24+s1], $0x200, s2, s1, $0x38;
	[tilespmem:$0x6A00] =	vst v63  }
0x3c: {  	s13 =	simm.s32 $0x2800  }
0x3d: {  	[tilespmem:s13], [sflag:$0x1] =	stream.strided.gather [hbm4b:s26+s1], $0x200, s2, s1, $0x38;
	[tilespmem:$0x6A00] =	vst v63  }
0x3e: {  	s10 =	simm.s32 $0x2A00  }
0x3f: {  	[tilespmem:s10], [sflag:$0x1] =	stream.strided.gather [hbm4b:s28+s1], $0x200, s2, s1, $0x38;
	[tilespmem:$0x6A00] =	vst v63  }
0x40: {  	s11 =	simm.s32 $0x2C00  }
0x41: {  	[tilespmem:s11], [sflag:$0x1] =	stream.strided.gather [hbm4b:s29+s1], $0x200, s2, s1, $0x38;
	[tilespmem:$0x6A00] =	vst v63  }
0x42: {  	s12 =	simm.s32 $0x2E00  }
0x43: {  	[tilespmem:s12], [sflag:$0x1] =	stream.strided.gather [hbm4b:s30+s1], $0x200, s2, s1, $0x38;
	[tilespmem:$0x6A00] =	vst v63  }
0x44: {  	s13 =	simm.s32 $0x3000  }
0x45: {  	[tilespmem:s13], [sflag:$0x1] =	stream.strided.gather [hbm4b:s31+s1], $0x200, s2, s1, $0x38;
	[tilespmem:$0x6A00] =	vst v63  }
0x46: {  	s10 =	simm.s32 $0x3200  }
0x47: {  	[tilespmem:s10], [sflag:$0x1] =	stream.strided.gather [hbm4b:s0+s1], $0x200, s2, s1, $0x38;
	[tilespmem:$0x6A00] =	vst v63  }
0x48: {  	_ =	swait.ge [sflag:s5], $0x200  }
0x49: {  	[sflag:s5] =	ssyncset.done $0x0  }
0x4a: {  	[sflag:s5] =	ssyncadd.s32 $0xFFFFFE00  }
0x4b: {  	_ =	swait.ge [sflag:s5], $0x200  }
0x4c: {  	[sflag:s5] =	ssyncset.done $0x0  }
0x4d: {  	[sflag:s5] =	ssyncadd.s32 $0xFFFFFE00  }
0x4e: {  	_ =	swait.ge [sflag:s5], $0x200  }
0x4f: {  	[sflag:s5] =	ssyncset.done $0x0  }
0x50: {  	[sflag:s5] =	ssyncadd.s32 $0xFFFFFE00  }
0x51: {  	_ =	swait.ge [sflag:s5], $0x200  }
0x52: {  	[sflag:s5] =	ssyncset.done $0x0  }
0x53: {  	[sflag:s5] =	ssyncadd.s32 $0xFFFFFE00  }
0x54: {  	_ =	swait.ge [sflag:s5], $0x200  }
0x55: {  	[sflag:s5] =	ssyncset.done $0x0  }
0x56: {  	[sflag:s5] =	ssyncadd.s32 $0xFFFFFE00  }
0x57: {  	_ =	swait.ge [sflag:s5], $0x200  }
0x58: {  	[sflag:s5] =	ssyncset.done $0x0  }
0x59: {  	[sflag:s5] =	ssyncadd.s32 $0xFFFFFE00  }
0x5a: {  	_ =	swait.ge [sflag:s5], $0x200  }
0x5b: {  	[sflag:s5] =	ssyncset.done $0x0  }
0x5c: {  	[sflag:s5] =	ssyncadd.s32 $0xFFFFFE00  }
0x5d: {  	_ =	swait.ge [sflag:s5], $0x200  }
0x5e: {  	[sflag:s5] =	ssyncset.done $0x0  }
0x5f: {  	[sflag:s5] =	ssyncadd.s32 $0xFFFFFE00  }
0x60: {  	_ =	swait.ge [sflag:s5], $0x200  }
0x61: {  	[sflag:s5] =	ssyncset.done $0x0  }
0x62: {  	[sflag:s5] =	ssyncadd.s32 $0xFFFFFE00  }
0x63: {  	_ =	swait.ge [sflag:s5], $0x200  }
0x64: {  	[sflag:s5] =	ssyncset.done $0x0  }
0x65: {  	[sflag:s5] =	ssyncadd.s32 $0xFFFFFE00  }
0x66: {  	_ =	swait.ge [sflag:s5], $0x200  }
0x67: {  	[sflag:s5] =	ssyncset.done $0x0  }
0x68: {  	[sflag:s5] =	ssyncadd.s32 $0xFFFFFE00  }
0x69: {  	_ =	swait.ge [sflag:s5], $0x200  }
0x6a: {  	[sflag:s5] =	ssyncset.done $0x0  }
0x6b: {  	[sflag:s5] =	ssyncadd.s32 $0xFFFFFE00  }
0x6c: {  	_ =	swait.ge [sflag:s5], $0x200  }
0x6d: {  	[sflag:s5] =	ssyncset.done $0x0  }
0x6e: {  	[sflag:s5] =	ssyncadd.s32 $0xFFFFFE00  }
0x6f: {  	_ =	swait.ge [sflag:s5], $0x200  }
0x70: {  	[sflag:s5] =	ssyncset.done $0x0  }
0x71: {  	[sflag:s5] =	ssyncadd.s32 $0xFFFFFE00  }
0x72: {  	_ =	swait.ge [sflag:s5], $0x200  }
0x73: {  	[sflag:s5] =	ssyncset.done $0x0  }
0x74: {  	[sflag:s5] =	ssyncadd.s32 $0xFFFFFE00  }
0x75: {  	_ =	swait.ge [sflag:s5], $0x200  }
0x76: {  	[sflag:s5] =	ssyncset.done $0x0  }
0x77: {  	[sflag:s5] =	ssyncadd.s32 $0xFFFFFE00  }
0x78: {  	_ =	swait.ge [sflag:s5], $0x200  }
0x79: {  	[sflag:s5] =	ssyncset.done $0x0  }
0x7a: {  	[sflag:s5] =	ssyncadd.s32 $0xFFFFFE00  }
0x7b: {  	_ =	swait.ge [sflag:s5], $0x200  }
0x7c: {  	[sflag:s5] =	ssyncset.done $0x0  }
0x7d: {  	[sflag:s5] =	ssyncadd.s32 $0xFFFFFE00  }
0x7e: {  	_ =	swait.ge [sflag:s5], $0x200  }
0x7f: {  	[sflag:s5] =	ssyncset.done $0x0  }
0x80: {  	[sflag:s5] =	ssyncadd.s32 $0xFFFFFE00  }
0x81: {  	_ =	swait.ge [sflag:s5], $0x200  }
0x82: {  	[sflag:s5] =	ssyncset.done $0x0  }
0x83: {  	[sflag:s5] =	ssyncadd.s32 $0xFFFFFE00  }
0x84: {  	_ =	swait.ge [sflag:s5], $0x200  }
0x85: {  	[sflag:s5] =	ssyncset.done $0x0  }
0x86: {  	[sflag:s5] =	ssyncadd.s32 $0xFFFFFE00  }
0x87: {  	_ =	swait.ge [sflag:s5], $0x200  }
0x88: {  	[sflag:s5] =	ssyncset.done $0x0  }
0x89: {  	[sflag:s5] =	ssyncadd.s32 $0xFFFFFE00  }
0x8a: {  	_ =	swait.ge [sflag:s5], $0x200  }
0x8b: {  	[sflag:s5] =	ssyncset.done $0x0  }
0x8c: {  	[sflag:s5] =	ssyncadd.s32 $0xFFFFFE00  }
0x8d: {  	_ =	swait.ge [sflag:s5], $0x200  }
0x8e: {  	[sflag:s5] =	ssyncset.done $0x0  }
0x8f: {  	[sflag:s5] =	ssyncadd.s32 $0xFFFFFE00  }
0x90: {  	_ =	swait.ge [sflag:s5], $0x200  }
0x91: {  	[sflag:s5] =	ssyncset.done $0x0  }
0x92: {  	[sflag:s5] =	ssyncadd.s32 $0xFFFFFE00  }
0x93: {  	_ =	swait.ge [sflag:s5], $0x200  }
0x94: {  	[sflag:s5] =	ssyncset.done $0x0  }
0x95: {  	[sflag:s5] =	ssyncadd.s32 $0xFFFFFE00  }
0x96: {  	s11 =	simm.s32 $0x3400;
	s12 =	rddreg [dreg:$0x0]  }
0x97: {  	[tilespmem:s11], [sflag:$0x2] =	stream.indirect.gather [hbm4b:s12+s11], $0x1, s3, s11, $0xb8;
	[tilespmem:$0x6A00] =	vst v63  }
0x98: {  	_ =	swait.ge [sflag:s6], $0x3400  }
0x99: {  	[sflag:s6] =	ssyncset.done $0x0  }
0x9a: {  	[sflag:s6] =	ssyncadd.s32 $0xFFFFCC00  }
0x9b: {  	v0 =	vld [tilespmem:s11+$0x0]  }
0x9c: {  	s13 =	sand.u32 $0x1F0, s3  }
0x9d: {  	v1 =	vld [tilespmem:s13+$0x3600];
	_ =	sdelay $0x1  }
0x9e: {  	v2 =	vld [tilespmem:s13+$0x3800]  }
0x9f: {  	v0 =	vadd.f32 $0.0e+00, v0  }
0xa0: {  	v3 =	vld [tilespmem:s13+$0x3A00]  }
0xa1: {  	v0 =	vadd.f32 v1, v0  }
0xa2: {  	v1 =	vld [tilespmem:s13+$0x3C00]  }
0xa3: {  	v0 =	vadd.f32 v2, v0  }
0xa4: {  	v2 =	vld [tilespmem:s13+$0x3E00]  }
0xa5: {  	v0 =	vadd.f32 v3, v0  }
0xa6: {  	v3 =	vld [tilespmem:s13+$0x4000]  }
0xa7: {  	v0 =	vadd.f32 v1, v0  }
0xa8: {  	v1 =	vld [tilespmem:s13+$0x4200]  }
0xa9: {  	v0 =	vadd.f32 v2, v0  }
0xaa: {  	v2 =	vld [tilespmem:s13+$0x4400]  }
0xab: {  	v0 =	vadd.f32 v3, v0  }
0xac: {  	v3 =	vld [tilespmem:s13+$0x4600]  }
0xad: {  	v0 =	vadd.f32 v1, v0  }
0xae: {  	v1 =	vld [tilespmem:s13+$0x4800]  }
0xaf: {  	v0 =	vadd.f32 v2, v0  }
0xb0: {  	v2 =	vld [tilespmem:s13+$0x4A00]  }
0xb1: {  	v0 =	vadd.f32 v3, v0  }
0xb2: {  	v3 =	vld [tilespmem:s13+$0x4C00]  }
0xb3: {  	v0 =	vadd.f32 v1, v0  }
0xb4: {  	v1 =	vld [tilespmem:s13+$0x4E00]  }
0xb5: {  	v0 =	vadd.f32 v2, v0  }
0xb6: {  	v2 =	vld [tilespmem:s13+$0x5000]  }
0xb7: {  	v0 =	vadd.f32 v3, v0  }
0xb8: {  	v3 =	vld [tilespmem:s13+$0x5200]  }
0xb9: {  	v0 =	vadd.f32 v1, v0  }
0xba: {  	v1 =	vld [tilespmem:s13+$0x5400]  }
0xbb: {  	v0 =	vadd.f32 v2, v0  }
0xbc: {  	v2 =	vld [tilespmem:s13+$0x5600]  }
0xbd: {  	v0 =	vadd.f32 v3, v0  }
0xbe: {  	v3 =	vld [tilespmem:s13+$0x5800]  }
0xbf: {  	v0 =	vadd.f32 v1, v0  }
0xc0: {  	v1 =	vld [tilespmem:s13+$0x5A00]  }
0xc1: {  	v0 =	vadd.f32 v2, v0  }
0xc2: {  	v2 =	vld [tilespmem:s13+$0x5C00]  }
0xc3: {  	v0 =	vadd.f32 v3, v0  }
0xc4: {  	v3 =	vld [tilespmem:s13+$0x5E00]  }
0xc5: {  	v0 =	vadd.f32 v1, v0  }
0xc6: {  	v1 =	vld [tilespmem:s13+$0x6000]  }
0xc7: {  	v0 =	vadd.f32 v2, v0  }
0xc8: {  	v2 =	vld [tilespmem:s13+$0x6200]  }
0xc9: {  	v0 =	vadd.f32 v3, v0  }
0xca: {  	v3 =	vld [tilespmem:s13+$0x6400]  }
0xcb: {  	v0 =	vadd.f32 v1, v0  }
0xcc: {  	v1 =	vld [tilespmem:s13+$0x6600]  }
0xcd: {  	v0 =	vadd.f32 v2, v0;
	_ =	sdelay $0x1  }
0xce: {  	v0 =	vadd.f32 v3, v0;
	_ =	sdelay $0x1  }
0xcf: {  	v0 =	vadd.f32 v1, v0;
	_ =	sdelay $0x1  }
0xd0: {  	v0 =	vsub.f32 $0.0e+00, v0;
	_ =	sdelay $0x1  }
0xd1: {  	v0 =	vmul.f32 $1.442695020e+00, v0;
	_ =	sdelay $0x1  }
0xd2: {  	(erf) = vpow2.f32 v0;
	_ =	sdelay $0x8  }
0xd3: {  	v0 =	vpop (erf)  }
0xd4: {  	v0 =	vadd.f32 $1.000000000e+00, v0;
	_ =	sdelay $0x1  }
0xd5: {  	(erf) = vrcp.f32 v0;
	_ =	sdelay $0x8  }
0xd6: {  	v0 =	vpop (erf)  }
0xd7: {  	s10 =	simm.s32 $0x3410;
	[tilespmem:s7+$0x0] =	vst v0  }
0xd8: {  	s9 =	simm.s32 $0x6800;
	s12 =	simm.s32 $0x20;
	s11 =	simm.s32 $0x10;
	v0 =	vld [tilespmem:s10+$0x0]  }
.LBB2_2:
0xd9: {  	p0 =	sne.s32 s12, $0x1F0;
	s13 =	sand.u32 $0x1F0, s11;
	s11 =	smov.u32 s12  }
0xda: {  	v1 =	vld [tilespmem:s13+$0x3600];
	_ =	sdelay $0x1  }
0xdb: {  	v2 =	vld [tilespmem:s13+$0x3800]  }
0xdc: {  	v0 =	vadd.f32 $0.0e+00, v0  }
0xdd: {  	v3 =	vld [tilespmem:s13+$0x3A00]  }
0xde: {  	v0 =	vadd.f32 v1, v0  }
0xdf: {  	v1 =	vld [tilespmem:s13+$0x3C00]  }
0xe0: {  	v0 =	vadd.f32 v2, v0  }
0xe1: {  	v2 =	vld [tilespmem:s13+$0x3E00]  }
0xe2: {  	v0 =	vadd.f32 v3, v0  }
0xe3: {  	v3 =	vld [tilespmem:s13+$0x4000]  }
0xe4: {  	v0 =	vadd.f32 v1, v0  }
0xe5: {  	v1 =	vld [tilespmem:s13+$0x4200]  }
0xe6: {  	v0 =	vadd.f32 v2, v0  }
0xe7: {  	v2 =	vld [tilespmem:s13+$0x4400]  }
0xe8: {  	v0 =	vadd.f32 v3, v0  }
0xe9: {  	v3 =	vld [tilespmem:s13+$0x4600]  }
0xea: {  	v0 =	vadd.f32 v1, v0  }
0xeb: {  	v1 =	vld [tilespmem:s13+$0x4800]  }
0xec: {  	v0 =	vadd.f32 v2, v0  }
0xed: {  	v2 =	vld [tilespmem:s13+$0x4A00]  }
0xee: {  	v0 =	vadd.f32 v3, v0  }
0xef: {  	v3 =	vld [tilespmem:s13+$0x4C00]  }
0xf0: {  	v0 =	vadd.f32 v1, v0  }
0xf1: {  	v1 =	vld [tilespmem:s13+$0x4E00]  }
0xf2: {  	v0 =	vadd.f32 v2, v0  }
0xf3: {  	v2 =	vld [tilespmem:s13+$0x5000]  }
0xf4: {  	v0 =	vadd.f32 v3, v0  }
0xf5: {  	v3 =	vld [tilespmem:s13+$0x5200]  }
0xf6: {  	v0 =	vadd.f32 v1, v0  }
0xf7: {  	v1 =	vld [tilespmem:s13+$0x5400]  }
0xf8: {  	v0 =	vadd.f32 v2, v0  }
0xf9: {  	v2 =	vld [tilespmem:s13+$0x5600]  }
0xfa: {  	v0 =	vadd.f32 v3, v0  }
0xfb: {  	v3 =	vld [tilespmem:s13+$0x5800]  }
0xfc: {  	v0 =	vadd.f32 v1, v0  }
0xfd: {  	v1 =	vld [tilespmem:s13+$0x5A00]  }
0xfe: {  	v0 =	vadd.f32 v2, v0  }
0xff: {  	v2 =	vld [tilespmem:s13+$0x5C00]  }
0x100: {  	v0 =	vadd.f32 v3, v0  }
0x101: {  	v3 =	vld [tilespmem:s13+$0x5E00]  }
0x102: {  	v0 =	vadd.f32 v1, v0  }
0x103: {  	v1 =	vld [tilespmem:s13+$0x6000]  }
0x104: {  	v0 =	vadd.f32 v2, v0  }
0x105: {  	v2 =	vld [tilespmem:s13+$0x6200]  }
0x106: {  	v0 =	vadd.f32 v3, v0  }
0x107: {  	v3 =	vld [tilespmem:s13+$0x6400]  }
0x108: {  	v0 =	vadd.f32 v1, v0  }
0x109: {  	v1 =	vld [tilespmem:s13+$0x6600]  }
0x10a: {  	v0 =	vadd.f32 v2, v0;
	_ =	sdelay $0x1  }
0x10b: {  	v0 =	vadd.f32 v3, v0;
	_ =	sdelay $0x1  }
0x10c: {  	v0 =	vadd.f32 v1, v0;
	_ =	sdelay $0x1  }
0x10d: {  	v0 =	vsub.f32 $0.0e+00, v0;
	_ =	sdelay $0x1  }
0x10e: {  	v0 =	vmul.f32 $1.442695020e+00, v0;
	_ =	sdelay $0x1  }
0x10f: {  	(erf) = vpow2.f32 v0;
	_ =	sdelay $0x8  }
0x110: {  	v0 =	vpop (erf)  }
0x111: {  	v0 =	vadd.f32 $1.000000000e+00, v0;
	_ =	sdelay $0x1  }
0x112: {  	(erf) = vrcp.f32 v0;
	_ =	sdelay $0x6  }
.Ltmp0:
0x113: {  	(pc) =	sbr.rel @p0 .LBB2_2-.Ltmp0, $4  }
0x114: {  	_ = 	snop  }
0x115: {  	s9 =	sadd.s32 $0x10, s9;
	v0 =	vpop (erf)  }
0x116: {  	s10 =	sadd.s32 $0x10, s10;
	[tilespmem:s9+$0x0] =	vst v0  }
0x117: {  	s12 =	sadd.s32 $0x10, s12;
	v0 =	vld [tilespmem:s10+$0x0]  }
0x118: {  	s10 =	sand.u32 $0x1F0, s11  }
0x119: {  	v1 =	vld [tilespmem:s10+$0x3600];
	_ =	sdelay $0x1  }
0x11a: {  	v2 =	vld [tilespmem:s10+$0x3800]  }
0x11b: {  	v0 =	vadd.f32 $0.0e+00, v0  }
0x11c: {  	v3 =	vld [tilespmem:s10+$0x3A00]  }
0x11d: {  	v0 =	vadd.f32 v1, v0  }
0x11e: {  	v42 =	vld [tilespmem:s10+$0x3C00]  }
0x11f: {  	v0 =	vadd.f32 v2, v0  }
0x120: {  	v43 =	vld [tilespmem:s10+$0x3E00]  }
0x121: {  	v0 =	vadd.f32 v3, v0  }
0x122: {  	v44 =	vld [tilespmem:s10+$0x4000]  }
0x123: {  	v0 =	vadd.f32 v42, v0  }
0x124: {  	v45 =	vld [tilespmem:s10+$0x4200]  }
0x125: {  	v0 =	vadd.f32 v43, v0  }
0x126: {  	v46 =	vld [tilespmem:s10+$0x4400]  }
0x127: {  	v0 =	vadd.f32 v44, v0  }
0x128: {  	v47 =	vld [tilespmem:s10+$0x4600]  }
0x129: {  	v0 =	vadd.f32 v45, v0  }
0x12a: {  	v48 =	vld [tilespmem:s10+$0x4800]  }
0x12b: {  	v0 =	vadd.f32 v46, v0  }
0x12c: {  	v49 =	vld [tilespmem:s10+$0x4A00]  }
0x12d: {  	v0 =	vadd.f32 v47, v0  }
0x12e: {  	v50 =	vld [tilespmem:s10+$0x4C00]  }
0x12f: {  	v0 =	vadd.f32 v48, v0  }
0x130: {  	v51 =	vld [tilespmem:s10+$0x4E00]  }
0x131: {  	v0 =	vadd.f32 v49, v0  }
0x132: {  	v52 =	vld [tilespmem:s10+$0x5000]  }
0x133: {  	v0 =	vadd.f32 v50, v0  }
0x134: {  	v53 =	vld [tilespmem:s10+$0x5200]  }
0x135: {  	v0 =	vadd.f32 v51, v0  }
0x136: {  	v54 =	vld [tilespmem:s10+$0x5400]  }
0x137: {  	v0 =	vadd.f32 v52, v0  }
0x138: {  	v55 =	vld [tilespmem:s10+$0x5600]  }
0x139: {  	v0 =	vadd.f32 v53, v0  }
0x13a: {  	v56 =	vld [tilespmem:s10+$0x5800]  }
0x13b: {  	v0 =	vadd.f32 v54, v0  }
0x13c: {  	v57 =	vld [tilespmem:s10+$0x5A00]  }
0x13d: {  	v0 =	vadd.f32 v55, v0  }
0x13e: {  	v58 =	vld [tilespmem:s10+$0x5C00]  }
0x13f: {  	v0 =	vadd.f32 v56, v0  }
0x140: {  	v59 =	vld [tilespmem:s10+$0x5E00]  }
0x141: {  	v0 =	vadd.f32 v57, v0  }
0x142: {  	v60 =	vld [tilespmem:s10+$0x6000]  }
0x143: {  	v0 =	vadd.f32 v58, v0  }
0x144: {  	v61 =	vld [tilespmem:s10+$0x6200]  }
0x145: {  	v0 =	vadd.f32 v59, v0  }
0x146: {  	v62 =	vld [tilespmem:s10+$0x6400]  }
0x147: {  	v0 =	vadd.f32 v60, v0  }
0x148: {  	v63 =	vld [tilespmem:s10+$0x6600]  }
0x149: {  	v0 =	vadd.f32 v61, v0;
	_ =	sdelay $0x1  }
0x14a: {  	v0 =	vadd.f32 v62, v0;
	_ =	sdelay $0x1  }
0x14b: {  	v0 =	vadd.f32 v63, v0;
	_ =	sdelay $0x1  }
0x14c: {  	v0 =	vsub.f32 $0.0e+00, v0;
	_ =	sdelay $0x1  }
0x14d: {  	v0 =	vmul.f32 $1.442695020e+00, v0;
	_ =	sdelay $0x1  }
0x14e: {  	(erf) = vpow2.f32 v0;
	_ =	sdelay $0x8  }
0x14f: {  	v0 =	vpop (erf)  }
0x150: {  	v0 =	vadd.f32 $1.000000000e+00, v0;
	_ =	sdelay $0x1  }
0x151: {  	(erf) = vrcp.f32 v0;
	_ =	sdelay $0x7  }
0x152: {  	s8 =	sadd.s32 $0x1, s8  }
0x153: {  	s9 =	sadd.s32 $0x10, s9;
	p0 =	sne.s32 s8, s25;
	v0 =	vpop (erf)  }
.Ltmp1:
0x154: {  	[tilespmem:s9+$0x0] =	vst v0;
	(pc) =	sbr.rel @p0 .LBB2_1-.Ltmp1, $4  }
0x155: {  	[hbm4b:s23+s3] =	stream.linear.scatter [tilespmem:s7], [sflag:$0x2], $0x200, $0x38;
	[tilespmem:$0x6A00] =	vst v63  }
0x156: {  	_ =	swait.ge [sflag:s6], $0x200  }
0x157: {  	[sflag:s6] =	ssyncset.done $0x0  }
0x158: {  	[sflag:s6] =	ssyncadd.s32 $0xFFFFFE00  }
0x159: {  	_ =	sfence.sel $0x180000  }
0x15a: {  	[bflag:$0x0] =	sbarrier.arrive $0xFFFF  }
0x15b: {  	_ =	strace $0x90000047  }
0x15c: {  	s0 =	stileid.u32;
	[bflag:$0x2] =	sbarrier.arrive $0xFFFF  }
0x15d: {  	p0 =	sne.s32 s0, $0x0;
	s0 =	rddreg [dreg:$0x3]  }
0x15e: {  	s0 =	sadd.s32 @!p0 $0x100000, s0  }
0x15f: {  	[sflag:s0] =	ssyncadd.tile.s32 @!p0 $0x1;
	_ =	shalt  }
.Lfunc_end2:
_tile_overlayer_lowered:
.L_overlay_start_2:
0x160: {  	(tag) =	ssettag $0x2  }
0x161: {  	s0 =	rddreg [dreg:$0x0];
	s2 =	stileid.u32  }
0x162: {  	s1 =	rddreg [dreg:$0x1];
	p0 =	sne.s32 s2, $0x0  }
0x163: {  	s3 =	rddreg [dreg:$0x2];
	[bflag:$0x3] =	sbarrier.arrive $0xFFFF;
	s2 =	simm.s32 @!p0 $0x1C02  }
0x164: {  	[timem:s3], [sflag:s2] =	dma.local @!p0 [hbm:s0], s1  }
0x165: {  	s0 =	simm.s32 @!p0 $0x2  }
0x166: {  	_ =	swait.ge @!p0 [sflag:s0], s1  }
0x167: {  	s1 =	ssub.s32 @!p0 $0x0, s1;
	[sflag:s0] =	ssyncset.done @!p0 $0x0  }
0x168: {  	[sflag:s0] =	ssyncadd.s32 @!p0 s1  }
0x169: {  	[bflag:$0x3] =	sbarrier.arrive $0xFFFF  }
0x16a: {  	_ =	shalt  }

</sc_bundles>
